<compile_context>
chip_gen: v7x
topology: tpu7x:2x2x1
jax: 0.10.2.dev20260603
libtpu: 0.0.44.dev20260713+nightly
codegen_flags: <defaults>
</compile_context>

<pallas_src>
import functools
import jax
import jax.numpy as jnp
from jax import lax
from jax.experimental import pallas as pl
from jax.experimental.pallas import tpu as pltpu
from jax.experimental.pallas import tpu_sc as plsc

ARITY = 8
G = 256
P = 256
D = 16

NC = 2
NS = 16
NW = NC * NS

R = 8
XCH = R * G * ARITY
NIDX = R * G
NIVEC = NIDX // 16
IDX_PER_DMA = 2048
NDMA = NIDX // IDX_PER_DMA


def _sc_body(x_hbm, p_hbm, o_hbm,
             x_a, x_b, idx_a, idx_b, min_a, min_b, gath_a, gath_b,
             semx_a, semx_b, semg_a, semg_b):
    wid = lax.axis_index("s") * NC + lax.axis_index("c")
    iota = lax.iota(jnp.int32, 16)
    iota8 = iota * 8

    nchunk = (o_hbm.shape[0] // G) // (NW * R)
    base_row = wid * nchunk * R

    def start_x(c, x_buf, semx):
        pltpu.async_copy(
            x_hbm.at[pl.ds((base_row + c * R) * G * ARITY, XCH)],
            x_buf, semx)

    def s1(x_buf, idx_buf, min_buf, gath_buf, semx, semg):
        pltpu.make_async_copy(x_hbm.at[pl.ds(0, XCH)], x_buf, semx).wait()

        @plsc.parallel_loop(0, NIVEC, unroll=1)
        def _ivec(i):
            base = i * 128 + iota8
            x0 = plsc.load_gather(x_buf, [base])
            m = jnp.abs(x0)
            ind = (x0 >= 0).astype(jnp.int32)
            for j in range(1, ARITY):
                xj = plsc.load_gather(x_buf, [base + j])
                m = jnp.minimum(m, jnp.abs(xj))
                ind = jnp.bitwise_or(
                    ind, jnp.left_shift((xj >= 0).astype(jnp.int32), j))
            gg = i * 16 + iota
            prow = jnp.bitwise_or(
                jnp.left_shift(jnp.bitwise_and(gg, G - 1), 8), ind)
            idx_buf[pl.ds(i * 16, 16)] = prow
            min_buf[pl.ds(i * 16, 16)] = m

        for j in range(NDMA):
            pltpu.async_copy(
                p_hbm.at[idx_buf.at[pl.ds(j * IDX_PER_DMA, IDX_PER_DMA)]],
                gath_buf.at[pl.ds(j * IDX_PER_DMA, IDX_PER_DMA)],
                semg)

    def s2(c, idx_buf, min_buf, gath_buf, semg):
        for j in range(NDMA):
            pltpu.make_async_copy(
                p_hbm.at[idx_buf.at[pl.ds(j * IDX_PER_DMA, IDX_PER_DMA)]],
                gath_buf.at[pl.ds(j * IDX_PER_DMA, IDX_PER_DMA)],
                semg).wait()

        @plsc.parallel_loop(0, NIDX // 16, unroll=1)
        def _scale(b):
            minvec = min_buf[pl.ds(b * 16, 16)]
            rbase = b * 16 + iota
            for d in range(D):
                dvec = jnp.full((16,), d, jnp.int32)
                vals = plsc.load_gather(gath_buf, [rbase, dvec])
                plsc.store_scatter(gath_buf, [rbase, dvec], vals * minvec)

        pltpu.sync_copy(gath_buf,
                        o_hbm.at[pl.ds((base_row + c * R) * G, NIDX)])

    start_x(0, x_a, semx_a)

    @pl.loop(0, nchunk // 2)
    def _pair(k):
        c0 = 2 * k
        s1(x_a, idx_a, min_a, gath_a, semx_a, semg_a)
        start_x(c0 + 1, x_b, semx_b)
        s2(c0, idx_a, min_a, gath_a, semg_a)
        s1(x_b, idx_b, min_b, gath_b, semx_b, semg_b)

        @pl.when(c0 + 2 < nchunk)
        def _():
            start_x(c0 + 2, x_a, semx_a)

        s2(c0 + 1, idx_b, min_b, gath_b, semg_b)


@jax.jit
def kernel(X, params):
    B = X.shape[0]
    Xf = X.reshape(B * G * ARITY)
    Pf = params.reshape(G * P, D)
    mesh = plsc.VectorSubcoreMesh(core_axis_name="c", subcore_axis_name="s")
    run = functools.partial(
        pl.kernel,
        out_type=jax.ShapeDtypeStruct((B * G, D), jnp.float32),
        mesh=mesh,
        compiler_params=pltpu.CompilerParams(
            needs_layout_passes=False, use_tc_tiling_on_sc=False),
        scratch_types=[
            pltpu.VMEM((XCH,), jnp.float32),
            pltpu.VMEM((XCH,), jnp.float32),
            pltpu.VMEM((NIDX,), jnp.int32),
            pltpu.VMEM((NIDX,), jnp.int32),
            pltpu.VMEM((NIDX,), jnp.float32),
            pltpu.VMEM((NIDX,), jnp.float32),
            pltpu.VMEM((NIDX, D), jnp.float32),
            pltpu.VMEM((NIDX, D), jnp.float32),
            pltpu.SemaphoreType.DMA,
            pltpu.SemaphoreType.DMA,
            pltpu.SemaphoreType.DMA,
            pltpu.SemaphoreType.DMA,
        ],
    )(_sc_body)
    out = run(Xf, Pf)
    return out.reshape(B, G * D)

# --- scband reference (transcript-rebuilt; emitter-appended) ---
"""Pipeline reference for scband-sparse-high-order-activation-b-85220741087979 (READ-ONLY COPY).

The authoritative reference and input builder live on the scoring server;
editing this copy changes nothing except your own understanding.
"""

import jax, jax.numpy as jnp
import numpy as np

ARITY = 8
INPUT_GROUPS = 256
OUT_DIM = 16
BATCH = 4096


def setup_inputs(seed: int = 0) -> dict:
    key = jax.random.key(seed)
    kx, kp = jax.random.split(key)
    X = jax.random.normal(kx, (BATCH, INPUT_GROUPS * ARITY), dtype=jnp.float32)
    # params initialized to random +/-1 as in the torch module
    params = (jax.random.randint(kp, (INPUT_GROUPS, 2 ** ARITY, OUT_DIM), 0, 2) * 2 - 1).astype(jnp.float32)
    return {"X": X, "params": params}


def reference(X, params):
    B = X.shape[0]
    G, P, D = params.shape
    arity = X.shape[1] // G
    X1 = X.reshape(B, G, arity)
    min_X1 = jnp.min(jnp.abs(X1), axis=2)
    pow2 = (2 ** jnp.arange(arity)).astype(jnp.int32)
    ind = jnp.sum((X1 >= 0).astype(jnp.int32) * pow2.reshape(1, 1, -1), axis=2)
    g_idx = jnp.arange(G).reshape(1, -1, 1)
    d_idx = jnp.arange(D).reshape(1, 1, -1)
    param = params[g_idx, ind[:, :, None], d_idx]
    out1 = param * min_X1[:, :, None]
    out = out1.reshape(B, G * D)
    return out

if __name__ == "__main__":
    import jax
    _d = setup_inputs()
    print(jax.jit(kernel)(*tuple(_d.values())))

</pallas_src>

<mosaic_0001>
#map = affine_map<(d0, d1) -> (0)>
#map1 = affine_map<(d0, d1) -> (0, 0)>
module attributes {stable_mosaic.version = 14 : i64} {
  func.func @_sc_body(%arg0: i32, %arg1: i32, %arg2: memref<8388608xf32, #tpu.memory_space<hbm>>, %arg3: memref<65536x16xf32, #tpu.memory_space<hbm>>, %arg4: memref<1048576x16xf32, #tpu.memory_space<hbm>>, %arg5: memref<16384xf32, #tpu.memory_space<vmem>>, %arg6: memref<16384xf32, #tpu.memory_space<vmem>>, %arg7: memref<2048xi32, #tpu.memory_space<vmem>>, %arg8: memref<2048xi32, #tpu.memory_space<vmem>>, %arg9: memref<2048xf32, #tpu.memory_space<vmem>>, %arg10: memref<2048xf32, #tpu.memory_space<vmem>>, %arg11: memref<2048x16xf32, #tpu.memory_space<vmem>>, %arg12: memref<2048x16xf32, #tpu.memory_space<vmem>>, %arg13: memref<!tpu.dma_semaphore, #tpu.memory_space<semaphore_mem>>, %arg14: memref<!tpu.dma_semaphore, #tpu.memory_space<semaphore_mem>>, %arg15: memref<!tpu.dma_semaphore, #tpu.memory_space<semaphore_mem>>, %arg16: memref<!tpu.dma_semaphore, #tpu.memory_space<semaphore_mem>>) attributes {dimension_semantics = [#tpu.dimension_semantics<core_parallel>, #tpu.dimension_semantics<subcore_parallel>], iteration_bounds = array<i64: 2, 16>, scalar_prefetch = 0 : i64, scratch_operands = 12 : i64, tpu.core_type = #tpu.core_type<sc_vector_subcore>, window_params = [{transform_indices = #map}, {transform_indices = #map1}, {transform_indices = #map1}]} {
    %mul3A = arith.constant 2 : i32
    %mul3A_0 = arith.muli %arg1, %mul3A : i32
    %add3A = arith.addi %mul3A_0, %arg0 : i32
    %iota3A = tpu.iota {dimensions = array<i32: 0>} : vector<16xi32>
    %mul3A_1 = arith.constant 8 : i32
    %mul3A_2 = vector.broadcast %mul3A_1 : i32 to vector<16xi32>
    %mul3A_3 = arith.muli %iota3A, %mul3A_2 : vector<16xi32>
    %mul3A_4 = arith.constant 16 : i32
    %mul3A_5 = arith.muli %add3A, %mul3A_4 : i32
    %mul3A_6 = arith.constant 8 : i32
    %mul3A_7 = arith.muli %mul3A_5, %mul3A_6 : i32
    %add3A_8 = arith.constant 0 : i32
    %add3A_9 = arith.addi %mul3A_7, %add3A_8 : i32
    %mul3A_10 = arith.constant 256 : i32
    %mul3A_11 = arith.muli %add3A_9, %mul3A_10 : i32
    %mul3A_12 = arith.constant 8 : i32
    %mul3A_13 = arith.muli %mul3A_11, %mul3A_12 : i32
    %dma_start3A = tpu.memref_slice %arg2[%mul3A_13] : memref<8388608xf32, #tpu.memory_space<hbm>> -> memref<16384xf32, #tpu.memory_space<hbm>>
    %dma_start3A_14 = tpu.memref_slice %arg2[%mul3A_13] : memref<8388608xf32, #tpu.memory_space<hbm>> -> memref<16384xf32, #tpu.memory_space<hbm>>
    tpu.enqueue_dma source(%dma_start3A_14 : memref<16384xf32, #tpu.memory_space<hbm>>) target(%arg5 : memref<16384xf32, #tpu.memory_space<vmem>>) target_semaphore(%arg13 : memref<!tpu.dma_semaphore, #tpu.memory_space<semaphore_mem>>)
    %scan3A = arith.constant 0 : i32
    %scan3A_15 = arith.constant 8 : i32
    %scan3A_16 = arith.addi %scan3A, %scan3A_15 : i32
    %scan3A_17 = arith.constant 1 : i32
    scf.for %scan3A_19 = %scan3A to %scan3A_16 step %scan3A_17  : i32 {
      %mul3A_20 = arith.constant 1 : i32
      %mul3A_21 = arith.muli %scan3A_19, %mul3A_20 : i32
      %add3A_22 = arith.constant 0 : i32
      %add3A_23 = arith.addi %add3A_22, %mul3A_21 : i32
      %mul3A_24 = arith.constant 2 : i32
      %mul3A_25 = arith.muli %mul3A_24, %add3A_23 : i32
      %dma_wait3A = arith.constant 0 : i32
      %dma_wait3A_26 = tpu.memref_slice %arg2[%dma_wait3A] : memref<8388608xf32, #tpu.memory_space<hbm>> -> memref<16384xf32, #tpu.memory_space<hbm>>
      %dma_wait3A_27 = arith.constant 0 : i32
      %dma_wait3A_28 = tpu.memref_slice %arg2[%dma_wait3A_27] : memref<8388608xf32, #tpu.memory_space<hbm>> -> memref<16384xf32, #tpu.memory_space<hbm>>
      tpu.wait_dma2 semaphore(%arg13 : memref<!tpu.dma_semaphore, #tpu.memory_space<semaphore_mem>>) src(%dma_wait3A_28 : memref<16384xf32, #tpu.memory_space<hbm>>) dst(%arg5 : memref<16384xf32, #tpu.memory_space<vmem>>)
      %parallel_loop3A = arith.constant 0 : i32
      %parallel_loop3A_29 = arith.constant 128 : i32
      %parallel_loop3A_30 = arith.constant 1 : i32
      scf.for %parallel_loop3A_103 = %parallel_loop3A to %parallel_loop3A_29 step %parallel_loop3A_30  : i32 {
        %parallel_loop3A_104 = arith.constant 128 : i32
        %parallel_loop3A_105 = arith.muli %parallel_loop3A_103, %parallel_loop3A_104 : i32
        %parallel_loop3A_106 = vector.broadcast %parallel_loop3A_105 : i32 to vector<16xi32>
        %parallel_loop3A_107 = arith.addi %parallel_loop3A_106, %mul3A_3 : vector<16xi32>
        %parallel_loop3A_108 = tpu.vector_load_idx %arg5[%parallel_loop3A_107] : memref<16384xf32, #tpu.memory_space<vmem>>[vector<16xi32>], vector<16xf32>,
        %parallel_loop3A_109 = math.absf %parallel_loop3A_108 : vector<16xf32>
        %parallel_loop3A_110 = arith.constant 0.000000e+00 : f32
        %parallel_loop3A_111 = vector.broadcast %parallel_loop3A_110 : f32 to vector<16xf32>
        %parallel_loop3A_112 = arith.cmpf oge, %parallel_loop3A_108, %parallel_loop3A_111 : vector<16xf32>
        %parallel_loop3A_113 = arith.extui %parallel_loop3A_112 : vector<16xi1> to vector<16xi32>
        %parallel_loop3A_114 = arith.constant 1 : i32
        %parallel_loop3A_115 = vector.broadcast %parallel_loop3A_114 : i32 to vector<16xi32>
        %parallel_loop3A_116 = arith.addi %parallel_loop3A_107, %parallel_loop3A_115 : vector<16xi32>
        %parallel_loop3A_117 = tpu.vector_load_idx %arg5[%parallel_loop3A_116] : memref<16384xf32, #tpu.memory_space<vmem>>[vector<16xi32>], vector<16xf32>,
        %parallel_loop3A_118 = math.absf %parallel_loop3A_117 : vector<16xf32>
        %parallel_loop3A_119 = arith.minimumf %parallel_loop3A_109, %parallel_loop3A_118 : vector<16xf32>
        %parallel_loop3A_120 = arith.constant 0.000000e+00 : f32
        %parallel_loop3A_121 = vector.broadcast %parallel_loop3A_120 : f32 to vector<16xf32>
        %parallel_loop3A_122 = arith.cmpf oge, %parallel_loop3A_117, %parallel_loop3A_121 : vector<16xf32>
        %parallel_loop3A_123 = arith.extui %parallel_loop3A_122 : vector<16xi1> to vector<16xi32>
        %parallel_loop3A_124 = arith.constant 1 : i32
        %parallel_loop3A_125 = vector.broadcast %parallel_loop3A_124 : i32 to vector<16xi32>
        %parallel_loop3A_126 = arith.shli %parallel_loop3A_123, %parallel_loop3A_125 : vector<16xi32>
        %parallel_loop3A_127 = arith.ori %parallel_loop3A_113, %parallel_loop3A_126 : vector<16xi32>
        %parallel_loop3A_128 = arith.constant 2 : i32
        %parallel_loop3A_129 = vector.broadcast %parallel_loop3A_128 : i32 to vector<16xi32>
        %parallel_loop3A_130 = arith.addi %parallel_loop3A_107, %parallel_loop3A_129 : vector<16xi32>
        %parallel_loop3A_131 = tpu.vector_load_idx %arg5[%parallel_loop3A_130] : memref<16384xf32, #tpu.memory_space<vmem>>[vector<16xi32>], vector<16xf32>,
        %parallel_loop3A_132 = math.absf %parallel_loop3A_131 : vector<16xf32>
        %parallel_loop3A_133 = arith.minimumf %parallel_loop3A_119, %parallel_loop3A_132 : vector<16xf32>
        %parallel_loop3A_134 = arith.constant 0.000000e+00 : f32
        %parallel_loop3A_135 = vector.broadcast %parallel_loop3A_134 : f32 to vector<16xf32>
        %parallel_loop3A_136 = arith.cmpf oge, %parallel_loop3A_131, %parallel_loop3A_135 : vector<16xf32>
        %parallel_loop3A_137 = arith.extui %parallel_loop3A_136 : vector<16xi1> to vector<16xi32>
        %parallel_loop3A_138 = arith.constant 2 : i32
        %parallel_loop3A_139 = vector.broadcast %parallel_loop3A_138 : i32 to vector<16xi32>
        %parallel_loop3A_140 = arith.shli %parallel_loop3A_137, %parallel_loop3A_139 : vector<16xi32>
        %parallel_loop3A_141 = arith.ori %parallel_loop3A_127, %parallel_loop3A_140 : vector<16xi32>
        %parallel_loop3A_142 = arith.constant 3 : i32
        %parallel_loop3A_143 = vector.broadcast %parallel_loop3A_142 : i32 to vector<16xi32>
        %parallel_loop3A_144 = arith.addi %parallel_loop3A_107, %parallel_loop3A_143 : vector<16xi32>
        %parallel_loop3A_145 = tpu.vector_load_idx %arg5[%parallel_loop3A_144] : memref<16384xf32, #tpu.memory_space<vmem>>[vector<16xi32>], vector<16xf32>,
        %parallel_loop3A_146 = math.absf %parallel_loop3A_145 : vector<16xf32>
        %parallel_loop3A_147 = arith.minimumf %parallel_loop3A_133, %parallel_loop3A_146 : vector<16xf32>
        %parallel_loop3A_148 = arith.constant 0.000000e+00 : f32
        %parallel_loop3A_149 = vector.broadcast %parallel_loop3A_148 : f32 to vector<16xf32>
        %parallel_loop3A_150 = arith.cmpf oge, %parallel_loop3A_145, %parallel_loop3A_149 : vector<16xf32>
        %parallel_loop3A_151 = arith.extui %parallel_loop3A_150 : vector<16xi1> to vector<16xi32>
        %parallel_loop3A_152 = arith.constant 3 : i32
        %parallel_loop3A_153 = vector.broadcast %parallel_loop3A_152 : i32 to vector<16xi32>
        %parallel_loop3A_154 = arith.shli %parallel_loop3A_151, %parallel_loop3A_153 : vector<16xi32>
        %parallel_loop3A_155 = arith.ori %parallel_loop3A_141, %parallel_loop3A_154 : vector<16xi32>
        %parallel_loop3A_156 = arith.constant 4 : i32
        %parallel_loop3A_157 = vector.broadcast %parallel_loop3A_156 : i32 to vector<16xi32>
        %parallel_loop3A_158 = arith.addi %parallel_loop3A_107, %parallel_loop3A_157 : vector<16xi32>
        %parallel_loop3A_159 = tpu.vector_load_idx %arg5[%parallel_loop3A_158] : memref<16384xf32, #tpu.memory_space<vmem>>[vector<16xi32>], vector<16xf32>,
        %parallel_loop3A_160 = math.absf %parallel_loop3A_159 : vector<16xf32>
        %parallel_loop3A_161 = arith.minimumf %parallel_loop3A_147, %parallel_loop3A_160 : vector<16xf32>
        %parallel_loop3A_162 = arith.constant 0.000000e+00 : f32
        %parallel_loop3A_163 = vector.broadcast %parallel_loop3A_162 : f32 to vector<16xf32>
        %parallel_loop3A_164 = arith.cmpf oge, %parallel_loop3A_159, %parallel_loop3A_163 : vector<16xf32>
        %parallel_loop3A_165 = arith.extui %parallel_loop3A_164 : vector<16xi1> to vector<16xi32>
        %parallel_loop3A_166 = arith.constant 4 : i32
        %parallel_loop3A_167 = vector.broadcast %parallel_loop3A_166 : i32 to vector<16xi32>
        %parallel_loop3A_168 = arith.shli %parallel_loop3A_165, %parallel_loop3A_167 : vector<16xi32>
        %parallel_loop3A_169 = arith.ori %parallel_loop3A_155, %parallel_loop3A_168 : vector<16xi32>
        %parallel_loop3A_170 = arith.constant 5 : i32
        %parallel_loop3A_171 = vector.broadcast %parallel_loop3A_170 : i32 to vector<16xi32>
        %parallel_loop3A_172 = arith.addi %parallel_loop3A_107, %parallel_loop3A_171 : vector<16xi32>
        %parallel_loop3A_173 = tpu.vector_load_idx %arg5[%parallel_loop3A_172] : memref<16384xf32, #tpu.memory_space<vmem>>[vector<16xi32>], vector<16xf32>,
        %parallel_loop3A_174 = math.absf %parallel_loop3A_173 : vector<16xf32>
        %parallel_loop3A_175 = arith.minimumf %parallel_loop3A_161, %parallel_loop3A_174 : vector<16xf32>
        %parallel_loop3A_176 = arith.constant 0.000000e+00 : f32
        %parallel_loop3A_177 = vector.broadcast %parallel_loop3A_176 : f32 to vector<16xf32>
        %parallel_loop3A_178 = arith.cmpf oge, %parallel_loop3A_173, %parallel_loop3A_177 : vector<16xf32>
        %parallel_loop3A_179 = arith.extui %parallel_loop3A_178 : vector<16xi1> to vector<16xi32>
        %parallel_loop3A_180 = arith.constant 5 : i32
        %parallel_loop3A_181 = vector.broadcast %parallel_loop3A_180 : i32 to vector<16xi32>
        %parallel_loop3A_182 = arith.shli %parallel_loop3A_179, %parallel_loop3A_181 : vector<16xi32>
        %parallel_loop3A_183 = arith.ori %parallel_loop3A_169, %parallel_loop3A_182 : vector<16xi32>
        %parallel_loop3A_184 = arith.constant 6 : i32
        %parallel_loop3A_185 = vector.broadcast %parallel_loop3A_184 : i32 to vector<16xi32>
        %parallel_loop3A_186 = arith.addi %parallel_loop3A_107, %parallel_loop3A_185 : vector<16xi32>
        %parallel_loop3A_187 = tpu.vector_load_idx %arg5[%parallel_loop3A_186] : memref<16384xf32, #tpu.memory_space<vmem>>[vector<16xi32>], vector<16xf32>,
        %parallel_loop3A_188 = math.absf %parallel_loop3A_187 : vector<16xf32>
        %parallel_loop3A_189 = arith.minimumf %parallel_loop3A_175, %parallel_loop3A_188 : vector<16xf32>
        %parallel_loop3A_190 = arith.constant 0.000000e+00 : f32
        %parallel_loop3A_191 = vector.broadcast %parallel_loop3A_190 : f32 to vector<16xf32>
        %parallel_loop3A_192 = arith.cmpf oge, %parallel_loop3A_187, %parallel_loop3A_191 : vector<16xf32>
        %parallel_loop3A_193 = arith.extui %parallel_loop3A_192 : vector<16xi1> to vector<16xi32>
        %parallel_loop3A_194 = arith.constant 6 : i32
        %parallel_loop3A_195 = vector.broadcast %parallel_loop3A_194 : i32 to vector<16xi32>
        %parallel_loop3A_196 = arith.shli %parallel_loop3A_193, %parallel_loop3A_195 : vector<16xi32>
        %parallel_loop3A_197 = arith.ori %parallel_loop3A_183, %parallel_loop3A_196 : vector<16xi32>
        %parallel_loop3A_198 = arith.constant 7 : i32
        %parallel_loop3A_199 = vector.broadcast %parallel_loop3A_198 : i32 to vector<16xi32>
        %parallel_loop3A_200 = arith.addi %parallel_loop3A_107, %parallel_loop3A_199 : vector<16xi32>
        %parallel_loop3A_201 = tpu.vector_load_idx %arg5[%parallel_loop3A_200] : memref<16384xf32, #tpu.memory_space<vmem>>[vector<16xi32>], vector<16xf32>,
        %parallel_loop3A_202 = math.absf %parallel_loop3A_201 : vector<16xf32>
        %parallel_loop3A_203 = arith.minimumf %parallel_loop3A_189, %parallel_loop3A_202 : vector<16xf32>
        %parallel_loop3A_204 = arith.constant 0.000000e+00 : f32
        %parallel_loop3A_205 = vector.broadcast %parallel_loop3A_204 : f32 to vector<16xf32>
        %parallel_loop3A_206 = arith.cmpf oge, %parallel_loop3A_201, %parallel_loop3A_205 : vector<16xf32>
        %parallel_loop3A_207 = arith.extui %parallel_loop3A_206 : vector<16xi1> to vector<16xi32>
        %parallel_loop3A_208 = arith.constant 7 : i32
        %parallel_loop3A_209 = vector.broadcast %parallel_loop3A_208 : i32 to vector<16xi32>
        %parallel_loop3A_210 = arith.shli %parallel_loop3A_207, %parallel_loop3A_209 : vector<16xi32>
        %parallel_loop3A_211 = arith.ori %parallel_loop3A_197, %parallel_loop3A_210 : vector<16xi32>
        %parallel_loop3A_212 = arith.constant 16 : i32
        %parallel_loop3A_213 = arith.muli %parallel_loop3A_103, %parallel_loop3A_212 : i32
        %parallel_loop3A_214 = vector.broadcast %parallel_loop3A_213 : i32 to vector<16xi32>
        %parallel_loop3A_215 = arith.addi %parallel_loop3A_214, %iota3A : vector<16xi32>
        %parallel_loop3A_216 = arith.constant 255 : i32
        %parallel_loop3A_217 = vector.broadcast %parallel_loop3A_216 : i32 to vector<16xi32>
        %parallel_loop3A_218 = arith.andi %parallel_loop3A_215, %parallel_loop3A_217 : vector<16xi32>
        %parallel_loop3A_219 = arith.constant 8 : i32
        %parallel_loop3A_220 = vector.broadcast %parallel_loop3A_219 : i32 to vector<16xi32>
        %parallel_loop3A_221 = arith.shli %parallel_loop3A_218, %parallel_loop3A_220 : vector<16xi32>
        %parallel_loop3A_222 = arith.ori %parallel_loop3A_221, %parallel_loop3A_211 : vector<16xi32>
        %parallel_loop3A_223 = arith.constant 16 : i32
        %parallel_loop3A_224 = arith.muli %parallel_loop3A_103, %parallel_loop3A_223 : i32
        %parallel_loop3A_225 = arith.index_cast %parallel_loop3A_224 : i32 to index
        %parallel_loop3A_226 = tpu.vector_load %arg7[%parallel_loop3A_225] {strides = array<i32>} : memref<2048xi32, #tpu.memory_space<vmem>>, vector<16xi32>,
        tpu.vector_store %arg7[%parallel_loop3A_225], %parallel_loop3A_222 {strides = array<i32>} : memref<2048xi32, #tpu.memory_space<vmem>>, vector<16xi32>,
        %parallel_loop3A_227 = arith.constant 16 : i32
        %parallel_loop3A_228 = arith.muli %parallel_loop3A_103, %parallel_loop3A_227 : i32
        %parallel_loop3A_229 = arith.index_cast %parallel_loop3A_228 : i32 to index
        %parallel_loop3A_230 = tpu.vector_load %arg9[%parallel_loop3A_229] {strides = array<i32>} : memref<2048xf32, #tpu.memory_space<vmem>>, vector<16xf32>,
        tpu.vector_store %arg9[%parallel_loop3A_229], %parallel_loop3A_203 {strides = array<i32>} : memref<2048xf32, #tpu.memory_space<vmem>>, vector<16xf32>,
      } {sc.loop_unroll_factor = 1 : i64, sc.parallel_access}
      %dma_start3A_31 = arith.constant 0 : i32
      %dma_start3A_32 = arith.constant 0 : i32
      %dma_start3A_33 = tpu.memref_slice %arg11[%dma_start3A_31, %dma_start3A_32] : memref<2048x16xf32, #tpu.memory_space<vmem>> -> memref<2048x16xf32, #tpu.memory_space<vmem>>
      %dma_start3A_34 = arith.constant 0 : i32
      %dma_start3A_35 = tpu.memref_slice %arg7[%dma_start3A_34] : memref<2048xi32, #tpu.memory_space<vmem>> -> memref<2048xi32, #tpu.memory_space<vmem>>
      %dma_start3A_36 = arith.constant 0 : i32
      %dma_start3A_37 = arith.constant 0 : i32
      %dma_start3A_38 = tpu.memref_slice %arg3[%dma_start3A_36, %dma_start3A_37] : memref<65536x16xf32, #tpu.memory_space<hbm>> -> memref<65536x16xf32, #tpu.memory_space<hbm>>
      tpu.enqueue_indirect_dma source(%dma_start3A_38 : memref<65536x16xf32, #tpu.memory_space<hbm>>) target(%dma_start3A_33 : memref<2048x16xf32, #tpu.memory_space<vmem>>) offsets(%dma_start3A_35 : memref<2048xi32, #tpu.memory_space<vmem>>) semaphore(%arg15 : memref<!tpu.dma_semaphore, #tpu.memory_space<semaphore_mem>>)
      %add3A_39 = arith.constant 1 : i32
      %add3A_40 = arith.addi %mul3A_25, %add3A_39 : i32
      %mul3A_41 = arith.constant 8 : i32
      %mul3A_42 = arith.muli %add3A_40, %mul3A_41 : i32
      %add3A_43 = arith.addi %mul3A_7, %mul3A_42 : i32
      %mul3A_44 = arith.constant 256 : i32
      %mul3A_45 = arith.muli %add3A_43, %mul3A_44 : i32
      %mul3A_46 = arith.constant 8 : i32
      %mul3A_47 = arith.muli %mul3A_45, %mul3A_46 : i32
      %dma_start3A_48 = tpu.memref_slice %arg2[%mul3A_47] : memref<8388608xf32, #tpu.memory_space<hbm>> -> memref<16384xf32, #tpu.memory_space<hbm>>
      %dma_start3A_49 = tpu.memref_slice %arg2[%mul3A_47] : memref<8388608xf32, #tpu.memory_space<hbm>> -> memref<16384xf32, #tpu.memory_space<hbm>>
      tpu.enqueue_dma source(%dma_start3A_49 : memref<16384xf32, #tpu.memory_space<hbm>>) target(%arg6 : memref<16384xf32, #tpu.memory_space<vmem>>) target_semaphore(%arg14 : memref<!tpu.dma_semaphore, #tpu.memory_space<semaphore_mem>>)
      %dma_wait3A_50 = arith.constant 0 : i32
      %dma_wait3A_51 = arith.constant 0 : i32
      %dma_wait3A_52 = tpu.memref_slice %arg11[%dma_wait3A_50, %dma_wait3A_51] : memref<2048x16xf32, #tpu.memory_space<vmem>> -> memref<2048x16xf32, #tpu.memory_space<vmem>>
      %dma_wait3A_53 = arith.constant 0 : i32
      %dma_wait3A_54 = tpu.memref_slice %arg7[%dma_wait3A_53] : memref<2048xi32, #tpu.memory_space<vmem>> -> memref<2048xi32, #tpu.memory_space<vmem>>
      %dma_wait3A_55 = arith.constant 0 : i32
      %dma_wait3A_56 = arith.constant 0 : i32
      %dma_wait3A_57 = tpu.memref_slice %arg3[%dma_wait3A_55, %dma_wait3A_56] : memref<65536x16xf32, #tpu.memory_space<hbm>> -> memref<65536x16xf32, #tpu.memory_space<hbm>>
      tpu.wait_indirect_dma semaphore(%arg15 : memref<!tpu.dma_semaphore, #tpu.memory_space<semaphore_mem>>) src(%dma_wait3A_57 : memref<65536x16xf32, #tpu.memory_space<hbm>>) dst(%dma_wait3A_52 : memref<2048x16xf32, #tpu.memory_space<vmem>>)
      %parallel_loop3A_58 = arith.constant 0 : i32
      %parallel_loop3A_59 = arith.constant 128 : i32
      %parallel_loop3A_60 = arith.constant 1 : i32
      scf.for %parallel_loop3A_103 = %parallel_loop3A_58 to %parallel_loop3A_59 step %parallel_loop3A_60  : i32 {
        %parallel_loop3A_104 = arith.constant 16 : i32
        %parallel_loop3A_105 = arith.muli %parallel_loop3A_103, %parallel_loop3A_104 : i32
        %parallel_loop3A_106 = arith.index_cast %parallel_loop3A_105 : i32 to index
        %parallel_loop3A_107 = tpu.vector_load %arg9[%parallel_loop3A_106] {strides = array<i32>} : memref<2048xf32, #tpu.memory_space<vmem>>, vector<16xf32>,
        %parallel_loop3A_108 = arith.constant 16 : i32
        %parallel_loop3A_109 = arith.muli %parallel_loop3A_103, %parallel_loop3A_108 : i32
        %parallel_loop3A_110 = vector.broadcast %parallel_loop3A_109 : i32 to vector<16xi32>
        %parallel_loop3A_111 = arith.addi %parallel_loop3A_110, %iota3A : vector<16xi32>
        %parallel_loop3A_112 = arith.constant 0 : i32
        %parallel_loop3A_113 = vector.broadcast %parallel_loop3A_112 : i32 to vector<16xi32>
        %parallel_loop3A_114 = tpu.vector_load_idx %arg11[%parallel_loop3A_111, %parallel_loop3A_113] : memref<2048x16xf32, #tpu.memory_space<vmem>>[vector<16xi32>, vector<16xi32>], vector<16xf32>,
        %parallel_loop3A_115 = arith.mulf %parallel_loop3A_114, %parallel_loop3A_107 : vector<16xf32>
        tpu.vector_store_idx %arg11[%parallel_loop3A_111, %parallel_loop3A_113], %parallel_loop3A_115 : memref<2048x16xf32, #tpu.memory_space<vmem>>[vector<16xi32>, vector<16xi32>], vector<16xf32>,
        %parallel_loop3A_116 = arith.constant 1 : i32
        %parallel_loop3A_117 = vector.broadcast %parallel_loop3A_116 : i32 to vector<16xi32>
        %parallel_loop3A_118 = tpu.vector_load_idx %arg11[%parallel_loop3A_111, %parallel_loop3A_117] : memref<2048x16xf32, #tpu.memory_space<vmem>>[vector<16xi32>, vector<16xi32>], vector<16xf32>,
        %parallel_loop3A_119 = arith.mulf %parallel_loop3A_118, %parallel_loop3A_107 : vector<16xf32>
        tpu.vector_store_idx %arg11[%parallel_loop3A_111, %parallel_loop3A_117], %parallel_loop3A_119 : memref<2048x16xf32, #tpu.memory_space<vmem>>[vector<16xi32>, vector<16xi32>], vector<16xf32>,
        %parallel_loop3A_120 = arith.constant 2 : i32
        %parallel_loop3A_121 = vector.broadcast %parallel_loop3A_120 : i32 to vector<16xi32>
        %parallel_loop3A_122 = tpu.vector_load_idx %arg11[%parallel_loop3A_111, %parallel_loop3A_121] : memref<2048x16xf32, #tpu.memory_space<vmem>>[vector<16xi32>, vector<16xi32>], vector<16xf32>,
        %parallel_loop3A_123 = arith.mulf %parallel_loop3A_122, %parallel_loop3A_107 : vector<16xf32>
        tpu.vector_store_idx %arg11[%parallel_loop3A_111, %parallel_loop3A_121], %parallel_loop3A_123 : memref<2048x16xf32, #tpu.memory_space<vmem>>[vector<16xi32>, vector<16xi32>], vector<16xf32>,
        %parallel_loop3A_124 = arith.constant 3 : i32
        %parallel_loop3A_125 = vector.broadcast %parallel_loop3A_124 : i32 to vector<16xi32>
        %parallel_loop3A_126 = tpu.vector_load_idx %arg11[%parallel_loop3A_111, %parallel_loop3A_125] : memref<2048x16xf32, #tpu.memory_space<vmem>>[vector<16xi32>, vector<16xi32>], vector<16xf32>,
        %parallel_loop3A_127 = arith.mulf %parallel_loop3A_126, %parallel_loop3A_107 : vector<16xf32>
        tpu.vector_store_idx %arg11[%parallel_loop3A_111, %parallel_loop3A_125], %parallel_loop3A_127 : memref<2048x16xf32, #tpu.memory_space<vmem>>[vector<16xi32>, vector<16xi32>], vector<16xf32>,
        %parallel_loop3A_128 = arith.constant 4 : i32
        %parallel_loop3A_129 = vector.broadcast %parallel_loop3A_128 : i32 to vector<16xi32>
        %parallel_loop3A_130 = tpu.vector_load_idx %arg11[%parallel_loop3A_111, %parallel_loop3A_129] : memref<2048x16xf32, #tpu.memory_space<vmem>>[vector<16xi32>, vector<16xi32>], vector<16xf32>,
        %parallel_loop3A_131 = arith.mulf %parallel_loop3A_130, %parallel_loop3A_107 : vector<16xf32>
        tpu.vector_store_idx %arg11[%parallel_loop3A_111, %parallel_loop3A_129], %parallel_loop3A_131 : memref<2048x16xf32, #tpu.memory_space<vmem>>[vector<16xi32>, vector<16xi32>], vector<16xf32>,
        %parallel_loop3A_132 = arith.constant 5 : i32
        %parallel_loop3A_133 = vector.broadcast %parallel_loop3A_132 : i32 to vector<16xi32>
        %parallel_loop3A_134 = tpu.vector_load_idx %arg11[%parallel_loop3A_111, %parallel_loop3A_133] : memref<2048x16xf32, #tpu.memory_space<vmem>>[vector<16xi32>, vector<16xi32>], vector<16xf32>,
        %parallel_loop3A_135 = arith.mulf %parallel_loop3A_134, %parallel_loop3A_107 : vector<16xf32>
        tpu.vector_store_idx %arg11[%parallel_loop3A_111, %parallel_loop3A_133], %parallel_loop3A_135 : memref<2048x16xf32, #tpu.memory_space<vmem>>[vector<16xi32>, vector<16xi32>], vector<16xf32>,
        %parallel_loop3A_136 = arith.constant 6 : i32
        %parallel_loop3A_137 = vector.broadcast %parallel_loop3A_136 : i32 to vector<16xi32>
        %parallel_loop3A_138 = tpu.vector_load_idx %arg11[%parallel_loop3A_111, %parallel_loop3A_137] : memref<2048x16xf32, #tpu.memory_space<vmem>>[vector<16xi32>, vector<16xi32>], vector<16xf32>,
        %parallel_loop3A_139 = arith.mulf %parallel_loop3A_138, %parallel_loop3A_107 : vector<16xf32>
        tpu.vector_store_idx %arg11[%parallel_loop3A_111, %parallel_loop3A_137], %parallel_loop3A_139 : memref<2048x16xf32, #tpu.memory_space<vmem>>[vector<16xi32>, vector<16xi32>], vector<16xf32>,
        %parallel_loop3A_140 = arith.constant 7 : i32
        %parallel_loop3A_141 = vector.broadcast %parallel_loop3A_140 : i32 to vector<16xi32>
        %parallel_loop3A_142 = tpu.vector_load_idx %arg11[%parallel_loop3A_111, %parallel_loop3A_141] : memref<2048x16xf32, #tpu.memory_space<vmem>>[vector<16xi32>, vector<16xi32>], vector<16xf32>,
        %parallel_loop3A_143 = arith.mulf %parallel_loop3A_142, %parallel_loop3A_107 : vector<16xf32>
        tpu.vector_store_idx %arg11[%parallel_loop3A_111, %parallel_loop3A_141], %parallel_loop3A_143 : memref<2048x16xf32, #tpu.memory_space<vmem>>[vector<16xi32>, vector<16xi32>], vector<16xf32>,
        %parallel_loop3A_144 = arith.constant 8 : i32
        %parallel_loop3A_145 = vector.broadcast %parallel_loop3A_144 : i32 to vector<16xi32>
        %parallel_loop3A_146 = tpu.vector_load_idx %arg11[%parallel_loop3A_111, %parallel_loop3A_145] : memref<2048x16xf32, #tpu.memory_space<vmem>>[vector<16xi32>, vector<16xi32>], vector<16xf32>,
        %parallel_loop3A_147 = arith.mulf %parallel_loop3A_146, %parallel_loop3A_107 : vector<16xf32>
        tpu.vector_store_idx %arg11[%parallel_loop3A_111, %parallel_loop3A_145], %parallel_loop3A_147 : memref<2048x16xf32, #tpu.memory_space<vmem>>[vector<16xi32>, vector<16xi32>], vector<16xf32>,
        %parallel_loop3A_148 = arith.constant 9 : i32
        %parallel_loop3A_149 = vector.broadcast %parallel_loop3A_148 : i32 to vector<16xi32>
        %parallel_loop3A_150 = tpu.vector_load_idx %arg11[%parallel_loop3A_111, %parallel_loop3A_149] : memref<2048x16xf32, #tpu.memory_space<vmem>>[vector<16xi32>, vector<16xi32>], vector<16xf32>,
        %parallel_loop3A_151 = arith.mulf %parallel_loop3A_150, %parallel_loop3A_107 : vector<16xf32>
        tpu.vector_store_idx %arg11[%parallel_loop3A_111, %parallel_loop3A_149], %parallel_loop3A_151 : memref<2048x16xf32, #tpu.memory_space<vmem>>[vector<16xi32>, vector<16xi32>], vector<16xf32>,
        %parallel_loop3A_152 = arith.constant 10 : i32
        %parallel_loop3A_153 = vector.broadcast %parallel_loop3A_152 : i32 to vector<16xi32>
        %parallel_loop3A_154 = tpu.vector_load_idx %arg11[%parallel_loop3A_111, %parallel_loop3A_153] : memref<2048x16xf32, #tpu.memory_space<vmem>>[vector<16xi32>, vector<16xi32>], vector<16xf32>,
        %parallel_loop3A_155 = arith.mulf %parallel_loop3A_154, %parallel_loop3A_107 : vector<16xf32>
        tpu.vector_store_idx %arg11[%parallel_loop3A_111, %parallel_loop3A_153], %parallel_loop3A_155 : memref<2048x16xf32, #tpu.memory_space<vmem>>[vector<16xi32>, vector<16xi32>], vector<16xf32>,
        %parallel_loop3A_156 = arith.constant 11 : i32
        %parallel_loop3A_157 = vector.broadcast %parallel_loop3A_156 : i32 to vector<16xi32>
        %parallel_loop3A_158 = tpu.vector_load_idx %arg11[%parallel_loop3A_111, %parallel_loop3A_157] : memref<2048x16xf32, #tpu.memory_space<vmem>>[vector<16xi32>, vector<16xi32>], vector<16xf32>,
        %parallel_loop3A_159 = arith.mulf %parallel_loop3A_158, %parallel_loop3A_107 : vector<16xf32>
        tpu.vector_store_idx %arg11[%parallel_loop3A_111, %parallel_loop3A_157], %parallel_loop3A_159 : memref<2048x16xf32, #tpu.memory_space<vmem>>[vector<16xi32>, vector<16xi32>], vector<16xf32>,
        %parallel_loop3A_160 = arith.constant 12 : i32
        %parallel_loop3A_161 = vector.broadcast %parallel_loop3A_160 : i32 to vector<16xi32>
        %parallel_loop3A_162 = tpu.vector_load_idx %arg11[%parallel_loop3A_111, %parallel_loop3A_161] : memref<2048x16xf32, #tpu.memory_space<vmem>>[vector<16xi32>, vector<16xi32>], vector<16xf32>,
        %parallel_loop3A_163 = arith.mulf %parallel_loop3A_162, %parallel_loop3A_107 : vector<16xf32>
        tpu.vector_store_idx %arg11[%parallel_loop3A_111, %parallel_loop3A_161], %parallel_loop3A_163 : memref<2048x16xf32, #tpu.memory_space<vmem>>[vector<16xi32>, vector<16xi32>], vector<16xf32>,
        %parallel_loop3A_164 = arith.constant 13 : i32
        %parallel_loop3A_165 = vector.broadcast %parallel_loop3A_164 : i32 to vector<16xi32>
        %parallel_loop3A_166 = tpu.vector_load_idx %arg11[%parallel_loop3A_111, %parallel_loop3A_165] : memref<2048x16xf32, #tpu.memory_space<vmem>>[vector<16xi32>, vector<16xi32>], vector<16xf32>,
        %parallel_loop3A_167 = arith.mulf %parallel_loop3A_166, %parallel_loop3A_107 : vector<16xf32>
        tpu.vector_store_idx %arg11[%parallel_loop3A_111, %parallel_loop3A_165], %parallel_loop3A_167 : memref<2048x16xf32, #tpu.memory_space<vmem>>[vector<16xi32>, vector<16xi32>], vector<16xf32>,
        %parallel_loop3A_168 = arith.constant 14 : i32
        %parallel_loop3A_169 = vector.broadcast %parallel_loop3A_168 : i32 to vector<16xi32>
        %parallel_loop3A_170 = tpu.vector_load_idx %arg11[%parallel_loop3A_111, %parallel_loop3A_169] : memref<2048x16xf32, #tpu.memory_space<vmem>>[vector<16xi32>, vector<16xi32>], vector<16xf32>,
        %parallel_loop3A_171 = arith.mulf %parallel_loop3A_170, %parallel_loop3A_107 : vector<16xf32>
        tpu.vector_store_idx %arg11[%parallel_loop3A_111, %parallel_loop3A_169], %parallel_loop3A_171 : memref<2048x16xf32, #tpu.memory_space<vmem>>[vector<16xi32>, vector<16xi32>], vector<16xf32>,
        %parallel_loop3A_172 = arith.constant 15 : i32
        %parallel_loop3A_173 = vector.broadcast %parallel_loop3A_172 : i32 to vector<16xi32>
        %parallel_loop3A_174 = tpu.vector_load_idx %arg11[%parallel_loop3A_111, %parallel_loop3A_173] : memref<2048x16xf32, #tpu.memory_space<vmem>>[vector<16xi32>, vector<16xi32>], vector<16xf32>,
        %parallel_loop3A_175 = arith.mulf %parallel_loop3A_174, %parallel_loop3A_107 : vector<16xf32>
        tpu.vector_store_idx %arg11[%parallel_loop3A_111, %parallel_loop3A_173], %parallel_loop3A_175 : memref<2048x16xf32, #tpu.memory_space<vmem>>[vector<16xi32>, vector<16xi32>], vector<16xf32>,
      } {sc.loop_unroll_factor = 1 : i64, sc.parallel_access}
      %mul3A_61 = arith.constant 8 : i32
      %mul3A_62 = arith.muli %mul3A_25, %mul3A_61 : i32
      %add3A_63 = arith.addi %mul3A_7, %mul3A_62 : i32
      %mul3A_64 = arith.constant 256 : i32
      %mul3A_65 = arith.muli %add3A_63, %mul3A_64 : i32
      "tpu.region"() ({
        %run_scoped3A = tpu.sem_alloc : memref<!tpu.dma_semaphore, #tpu.memory_space<semaphore_mem>>
        %dma_start3A_103 = arith.constant 0 : i32
        %dma_start3A_104 = tpu.memref_slice %arg4[%mul3A_65, %dma_start3A_103] : memref<1048576x16xf32, #tpu.memory_space<hbm>> -> memref<2048x16xf32, #tpu.memory_space<hbm>>
        %dma_start3A_105 = arith.constant 0 : i32
        %dma_start3A_106 = tpu.memref_slice %arg4[%mul3A_65, %dma_start3A_105] : memref<1048576x16xf32, #tpu.memory_space<hbm>> -> memref<2048x16xf32, #tpu.memory_space<hbm>>
        tpu.enqueue_dma source(%arg11 : memref<2048x16xf32, #tpu.memory_space<vmem>>) target(%dma_start3A_106 : memref<2048x16xf32, #tpu.memory_space<hbm>>) target_semaphore(%run_scoped3A : memref<!tpu.dma_semaphore, #tpu.memory_space<semaphore_mem>>)
        %dma_wait3A_107 = arith.constant 0 : i32
        %dma_wait3A_108 = tpu.memref_slice %arg4[%mul3A_65, %dma_wait3A_107] : memref<1048576x16xf32, #tpu.memory_space<hbm>> -> memref<2048x16xf32, #tpu.memory_space<hbm>>
        %dma_wait3A_109 = arith.constant 0 : i32
        %dma_wait3A_110 = tpu.memref_slice %arg4[%mul3A_65, %dma_wait3A_109] : memref<1048576x16xf32, #tpu.memory_space<hbm>> -> memref<2048x16xf32, #tpu.memory_space<hbm>>
        tpu.wait_dma2 semaphore(%run_scoped3A : memref<!tpu.dma_semaphore, #tpu.memory_space<semaphore_mem>>) src(%arg11 : memref<2048x16xf32, #tpu.memory_space<vmem>>) dst(%dma_wait3A_110 : memref<2048x16xf32, #tpu.memory_space<hbm>>)
        tpu.yield
      }) : () -> ()
      %dma_wait3A_66 = arith.constant 0 : i32
      %dma_wait3A_67 = tpu.memref_slice %arg2[%dma_wait3A_66] : memref<8388608xf32, #tpu.memory_space<hbm>> -> memref<16384xf32, #tpu.memory_space<hbm>>
      %dma_wait3A_68 = arith.constant 0 : i32
      %dma_wait3A_69 = tpu.memref_slice %arg2[%dma_wait3A_68] : memref<8388608xf32, #tpu.memory_space<hbm>> -> memref<16384xf32, #tpu.memory_space<hbm>>
      tpu.wait_dma2 semaphore(%arg14 : memref<!tpu.dma_semaphore, #tpu.memory_space<semaphore_mem>>) src(%dma_wait3A_69 : memref<16384xf32, #tpu.memory_space<hbm>>) dst(%arg6 : memref<16384xf32, #tpu.memory_space<vmem>>)
      %parallel_loop3A_70 = arith.constant 0 : i32
      %parallel_loop3A_71 = arith.constant 128 : i32
      %parallel_loop3A_72 = arith.constant 1 : i32
      scf.for %parallel_loop3A_103 = %parallel_loop3A_70 to %parallel_loop3A_71 step %parallel_loop3A_72  : i32 {
        %parallel_loop3A_104 = arith.constant 128 : i32
        %parallel_loop3A_105 = arith.muli %parallel_loop3A_103, %parallel_loop3A_104 : i32
        %parallel_loop3A_106 = vector.broadcast %parallel_loop3A_105 : i32 to vector<16xi32>
        %parallel_loop3A_107 = arith.addi %parallel_loop3A_106, %mul3A_3 : vector<16xi32>
        %parallel_loop3A_108 = tpu.vector_load_idx %arg6[%parallel_loop3A_107] : memref<16384xf32, #tpu.memory_space<vmem>>[vector<16xi32>], vector<16xf32>,
        %parallel_loop3A_109 = math.absf %parallel_loop3A_108 : vector<16xf32>
        %parallel_loop3A_110 = arith.constant 0.000000e+00 : f32
        %parallel_loop3A_111 = vector.broadcast %parallel_loop3A_110 : f32 to vector<16xf32>
        %parallel_loop3A_112 = arith.cmpf oge, %parallel_loop3A_108, %parallel_loop3A_111 : vector<16xf32>
        %parallel_loop3A_113 = arith.extui %parallel_loop3A_112 : vector<16xi1> to vector<16xi32>
        %parallel_loop3A_114 = arith.constant 1 : i32
        %parallel_loop3A_115 = vector.broadcast %parallel_loop3A_114 : i32 to vector<16xi32>
        %parallel_loop3A_116 = arith.addi %parallel_loop3A_107, %parallel_loop3A_115 : vector<16xi32>
        %parallel_loop3A_117 = tpu.vector_load_idx %arg6[%parallel_loop3A_116] : memref<16384xf32, #tpu.memory_space<vmem>>[vector<16xi32>], vector<16xf32>,
        %parallel_loop3A_118 = math.absf %parallel_loop3A_117 : vector<16xf32>
        %parallel_loop3A_119 = arith.minimumf %parallel_loop3A_109, %parallel_loop3A_118 : vector<16xf32>
        %parallel_loop3A_120 = arith.constant 0.000000e+00 : f32
        %parallel_loop3A_121 = vector.broadcast %parallel_loop3A_120 : f32 to vector<16xf32>
        %parallel_loop3A_122 = arith.cmpf oge, %parallel_loop3A_117, %parallel_loop3A_121 : vector<16xf32>
        %parallel_loop3A_123 = arith.extui %parallel_loop3A_122 : vector<16xi1> to vector<16xi32>
        %parallel_loop3A_124 = arith.constant 1 : i32
        %parallel_loop3A_125 = vector.broadcast %parallel_loop3A_124 : i32 to vector<16xi32>
        %parallel_loop3A_126 = arith.shli %parallel_loop3A_123, %parallel_loop3A_125 : vector<16xi32>
        %parallel_loop3A_127 = arith.ori %parallel_loop3A_113, %parallel_loop3A_126 : vector<16xi32>
        %parallel_loop3A_128 = arith.constant 2 : i32
        %parallel_loop3A_129 = vector.broadcast %parallel_loop3A_128 : i32 to vector<16xi32>
        %parallel_loop3A_130 = arith.addi %parallel_loop3A_107, %parallel_loop3A_129 : vector<16xi32>
        %parallel_loop3A_131 = tpu.vector_load_idx %arg6[%parallel_loop3A_130] : memref<16384xf32, #tpu.memory_space<vmem>>[vector<16xi32>], vector<16xf32>,
        %parallel_loop3A_132 = math.absf %parallel_loop3A_131 : vector<16xf32>
        %parallel_loop3A_133 = arith.minimumf %parallel_loop3A_119, %parallel_loop3A_132 : vector<16xf32>
        %parallel_loop3A_134 = arith.constant 0.000000e+00 : f32
        %parallel_loop3A_135 = vector.broadcast %parallel_loop3A_134 : f32 to vector<16xf32>
        %parallel_loop3A_136 = arith.cmpf oge, %parallel_loop3A_131, %parallel_loop3A_135 : vector<16xf32>
        %parallel_loop3A_137 = arith.extui %parallel_loop3A_136 : vector<16xi1> to vector<16xi32>
        %parallel_loop3A_138 = arith.constant 2 : i32
        %parallel_loop3A_139 = vector.broadcast %parallel_loop3A_138 : i32 to vector<16xi32>
        %parallel_loop3A_140 = arith.shli %parallel_loop3A_137, %parallel_loop3A_139 : vector<16xi32>
        %parallel_loop3A_141 = arith.ori %parallel_loop3A_127, %parallel_loop3A_140 : vector<16xi32>
        %parallel_loop3A_142 = arith.constant 3 : i32
        %parallel_loop3A_143 = vector.broadcast %parallel_loop3A_142 : i32 to vector<16xi32>
        %parallel_loop3A_144 = arith.addi %parallel_loop3A_107, %parallel_loop3A_143 : vector<16xi32>
        %parallel_loop3A_145 = tpu.vector_load_idx %arg6[%parallel_loop3A_144] : memref<16384xf32, #tpu.memory_space<vmem>>[vector<16xi32>], vector<16xf32>,
        %parallel_loop3A_146 = math.absf %parallel_loop3A_145 : vector<16xf32>
        %parallel_loop3A_147 = arith.minimumf %parallel_loop3A_133, %parallel_loop3A_146 : vector<16xf32>
        %parallel_loop3A_148 = arith.constant 0.000000e+00 : f32
        %parallel_loop3A_149 = vector.broadcast %parallel_loop3A_148 : f32 to vector<16xf32>
        %parallel_loop3A_150 = arith.cmpf oge, %parallel_loop3A_145, %parallel_loop3A_149 : vector<16xf32>
        %parallel_loop3A_151 = arith.extui %parallel_loop3A_150 : vector<16xi1> to vector<16xi32>
        %parallel_loop3A_152 = arith.constant 3 : i32
        %parallel_loop3A_153 = vector.broadcast %parallel_loop3A_152 : i32 to vector<16xi32>
        %parallel_loop3A_154 = arith.shli %parallel_loop3A_151, %parallel_loop3A_153 : vector<16xi32>
        %parallel_loop3A_155 = arith.ori %parallel_loop3A_141, %parallel_loop3A_154 : vector<16xi32>
        %parallel_loop3A_156 = arith.constant 4 : i32
        %parallel_loop3A_157 = vector.broadcast %parallel_loop3A_156 : i32 to vector<16xi32>
        %parallel_loop3A_158 = arith.addi %parallel_loop3A_107, %parallel_loop3A_157 : vector<16xi32>
        %parallel_loop3A_159 = tpu.vector_load_idx %arg6[%parallel_loop3A_158] : memref<16384xf32, #tpu.memory_space<vmem>>[vector<16xi32>], vector<16xf32>,
        %parallel_loop3A_160 = math.absf %parallel_loop3A_159 : vector<16xf32>
        %parallel_loop3A_161 = arith.minimumf %parallel_loop3A_147, %parallel_loop3A_160 : vector<16xf32>
        %parallel_loop3A_162 = arith.constant 0.000000e+00 : f32
        %parallel_loop3A_163 = vector.broadcast %parallel_loop3A_162 : f32 to vector<16xf32>
        %parallel_loop3A_164 = arith.cmpf oge, %parallel_loop3A_159, %parallel_loop3A_163 : vector<16xf32>
        %parallel_loop3A_165 = arith.extui %parallel_loop3A_164 : vector<16xi1> to vector<16xi32>
        %parallel_loop3A_166 = arith.constant 4 : i32
        %parallel_loop3A_167 = vector.broadcast %parallel_loop3A_166 : i32 to vector<16xi32>
        %parallel_loop3A_168 = arith.shli %parallel_loop3A_165, %parallel_loop3A_167 : vector<16xi32>
        %parallel_loop3A_169 = arith.ori %parallel_loop3A_155, %parallel_loop3A_168 : vector<16xi32>
        %parallel_loop3A_170 = arith.constant 5 : i32
        %parallel_loop3A_171 = vector.broadcast %parallel_loop3A_170 : i32 to vector<16xi32>
        %parallel_loop3A_172 = arith.addi %parallel_loop3A_107, %parallel_loop3A_171 : vector<16xi32>
        %parallel_loop3A_173 = tpu.vector_load_idx %arg6[%parallel_loop3A_172] : memref<16384xf32, #tpu.memory_space<vmem>>[vector<16xi32>], vector<16xf32>,
        %parallel_loop3A_174 = math.absf %parallel_loop3A_173 : vector<16xf32>
        %parallel_loop3A_175 = arith.minimumf %parallel_loop3A_161, %parallel_loop3A_174 : vector<16xf32>
        %parallel_loop3A_176 = arith.constant 0.000000e+00 : f32
        %parallel_loop3A_177 = vector.broadcast %parallel_loop3A_176 : f32 to vector<16xf32>
        %parallel_loop3A_178 = arith.cmpf oge, %parallel_loop3A_173, %parallel_loop3A_177 : vector<16xf32>
        %parallel_loop3A_179 = arith.extui %parallel_loop3A_178 : vector<16xi1> to vector<16xi32>
        %parallel_loop3A_180 = arith.constant 5 : i32
        %parallel_loop3A_181 = vector.broadcast %parallel_loop3A_180 : i32 to vector<16xi32>
        %parallel_loop3A_182 = arith.shli %parallel_loop3A_179, %parallel_loop3A_181 : vector<16xi32>
        %parallel_loop3A_183 = arith.ori %parallel_loop3A_169, %parallel_loop3A_182 : vector<16xi32>
        %parallel_loop3A_184 = arith.constant 6 : i32
        %parallel_loop3A_185 = vector.broadcast %parallel_loop3A_184 : i32 to vector<16xi32>
        %parallel_loop3A_186 = arith.addi %parallel_loop3A_107, %parallel_loop3A_185 : vector<16xi32>
        %parallel_loop3A_187 = tpu.vector_load_idx %arg6[%parallel_loop3A_186] : memref<16384xf32, #tpu.memory_space<vmem>>[vector<16xi32>], vector<16xf32>,
        %parallel_loop3A_188 = math.absf %parallel_loop3A_187 : vector<16xf32>
        %parallel_loop3A_189 = arith.minimumf %parallel_loop3A_175, %parallel_loop3A_188 : vector<16xf32>
        %parallel_loop3A_190 = arith.constant 0.000000e+00 : f32
        %parallel_loop3A_191 = vector.broadcast %parallel_loop3A_190 : f32 to vector<16xf32>
        %parallel_loop3A_192 = arith.cmpf oge, %parallel_loop3A_187, %parallel_loop3A_191 : vector<16xf32>
        %parallel_loop3A_193 = arith.extui %parallel_loop3A_192 : vector<16xi1> to vector<16xi32>
        %parallel_loop3A_194 = arith.constant 6 : i32
        %parallel_loop3A_195 = vector.broadcast %parallel_loop3A_194 : i32 to vector<16xi32>
        %parallel_loop3A_196 = arith.shli %parallel_loop3A_193, %parallel_loop3A_195 : vector<16xi32>
        %parallel_loop3A_197 = arith.ori %parallel_loop3A_183, %parallel_loop3A_196 : vector<16xi32>
        %parallel_loop3A_198 = arith.constant 7 : i32
        %parallel_loop3A_199 = vector.broadcast %parallel_loop3A_198 : i32 to vector<16xi32>
        %parallel_loop3A_200 = arith.addi %parallel_loop3A_107, %parallel_loop3A_199 : vector<16xi32>
        %parallel_loop3A_201 = tpu.vector_load_idx %arg6[%parallel_loop3A_200] : memref<16384xf32, #tpu.memory_space<vmem>>[vector<16xi32>], vector<16xf32>,
        %parallel_loop3A_202 = math.absf %parallel_loop3A_201 : vector<16xf32>
        %parallel_loop3A_203 = arith.minimumf %parallel_loop3A_189, %parallel_loop3A_202 : vector<16xf32>
        %parallel_loop3A_204 = arith.constant 0.000000e+00 : f32
        %parallel_loop3A_205 = vector.broadcast %parallel_loop3A_204 : f32 to vector<16xf32>
        %parallel_loop3A_206 = arith.cmpf oge, %parallel_loop3A_201, %parallel_loop3A_205 : vector<16xf32>
        %parallel_loop3A_207 = arith.extui %parallel_loop3A_206 : vector<16xi1> to vector<16xi32>
        %parallel_loop3A_208 = arith.constant 7 : i32
        %parallel_loop3A_209 = vector.broadcast %parallel_loop3A_208 : i32 to vector<16xi32>
        %parallel_loop3A_210 = arith.shli %parallel_loop3A_207, %parallel_loop3A_209 : vector<16xi32>
        %parallel_loop3A_211 = arith.ori %parallel_loop3A_197, %parallel_loop3A_210 : vector<16xi32>
        %parallel_loop3A_212 = arith.constant 16 : i32
        %parallel_loop3A_213 = arith.muli %parallel_loop3A_103, %parallel_loop3A_212 : i32
        %parallel_loop3A_214 = vector.broadcast %parallel_loop3A_213 : i32 to vector<16xi32>
        %parallel_loop3A_215 = arith.addi %parallel_loop3A_214, %iota3A : vector<16xi32>
        %parallel_loop3A_216 = arith.constant 255 : i32
        %parallel_loop3A_217 = vector.broadcast %parallel_loop3A_216 : i32 to vector<16xi32>
        %parallel_loop3A_218 = arith.andi %parallel_loop3A_215, %parallel_loop3A_217 : vector<16xi32>
        %parallel_loop3A_219 = arith.constant 8 : i32
        %parallel_loop3A_220 = vector.broadcast %parallel_loop3A_219 : i32 to vector<16xi32>
        %parallel_loop3A_221 = arith.shli %parallel_loop3A_218, %parallel_loop3A_220 : vector<16xi32>
        %parallel_loop3A_222 = arith.ori %parallel_loop3A_221, %parallel_loop3A_211 : vector<16xi32>
        %parallel_loop3A_223 = arith.constant 16 : i32
        %parallel_loop3A_224 = arith.muli %parallel_loop3A_103, %parallel_loop3A_223 : i32
        %parallel_loop3A_225 = arith.index_cast %parallel_loop3A_224 : i32 to index
        %parallel_loop3A_226 = tpu.vector_load %arg8[%parallel_loop3A_225] {strides = array<i32>} : memref<2048xi32, #tpu.memory_space<vmem>>, vector<16xi32>,
        tpu.vector_store %arg8[%parallel_loop3A_225], %parallel_loop3A_222 {strides = array<i32>} : memref<2048xi32, #tpu.memory_space<vmem>>, vector<16xi32>,
        %parallel_loop3A_227 = arith.constant 16 : i32
        %parallel_loop3A_228 = arith.muli %parallel_loop3A_103, %parallel_loop3A_227 : i32
        %parallel_loop3A_229 = arith.index_cast %parallel_loop3A_228 : i32 to index
        %parallel_loop3A_230 = tpu.vector_load %arg10[%parallel_loop3A_229] {strides = array<i32>} : memref<2048xf32, #tpu.memory_space<vmem>>, vector<16xf32>,
        tpu.vector_store %arg10[%parallel_loop3A_229], %parallel_loop3A_203 {strides = array<i32>} : memref<2048xf32, #tpu.memory_space<vmem>>, vector<16xf32>,
      } {sc.loop_unroll_factor = 1 : i64, sc.parallel_access}
      %dma_start3A_73 = arith.constant 0 : i32
      %dma_start3A_74 = arith.constant 0 : i32
      %dma_start3A_75 = tpu.memref_slice %arg12[%dma_start3A_73, %dma_start3A_74] : memref<2048x16xf32, #tpu.memory_space<vmem>> -> memref<2048x16xf32, #tpu.memory_space<vmem>>
      %dma_start3A_76 = arith.constant 0 : i32
      %dma_start3A_77 = tpu.memref_slice %arg8[%dma_start3A_76] : memref<2048xi32, #tpu.memory_space<vmem>> -> memref<2048xi32, #tpu.memory_space<vmem>>
      %dma_start3A_78 = arith.constant 0 : i32
      %dma_start3A_79 = arith.constant 0 : i32
      %dma_start3A_80 = tpu.memref_slice %arg3[%dma_start3A_78, %dma_start3A_79] : memref<65536x16xf32, #tpu.memory_space<hbm>> -> memref<65536x16xf32, #tpu.memory_space<hbm>>
      tpu.enqueue_indirect_dma source(%dma_start3A_80 : memref<65536x16xf32, #tpu.memory_space<hbm>>) target(%dma_start3A_75 : memref<2048x16xf32, #tpu.memory_space<vmem>>) offsets(%dma_start3A_77 : memref<2048xi32, #tpu.memory_space<vmem>>) semaphore(%arg16 : memref<!tpu.dma_semaphore, #tpu.memory_space<semaphore_mem>>)
      %add3A_81 = arith.constant 2 : i32
      %add3A_82 = arith.addi %mul3A_25, %add3A_81 : i32
      %lt3A = arith.constant 16 : i32
      %lt3A_83 = arith.cmpi slt, %add3A_82, %lt3A : i32
      %convert_element_type3A = arith.extui %lt3A_83 : i1 to i32
      %cond3A = arith.constant 0 : i32
      %cond3A_84 = arith.cmpi ne, %convert_element_type3A, %cond3A : i32
      scf.if %cond3A_84 {
        %add3A_103 = arith.constant 2 : i32
        %add3A_104 = arith.addi %mul3A_25, %add3A_103 : i32
        %mul3A_105 = arith.constant 8 : i32
        %mul3A_106 = arith.muli %add3A_104, %mul3A_105 : i32
        %add3A_107 = arith.addi %mul3A_7, %mul3A_106 : i32
        %mul3A_108 = arith.constant 256 : i32
        %mul3A_109 = arith.muli %add3A_107, %mul3A_108 : i32
        %mul3A_110 = arith.constant 8 : i32
        %mul3A_111 = arith.muli %mul3A_109, %mul3A_110 : i32
        %dma_start3A_112 = tpu.memref_slice %arg2[%mul3A_111] : memref<8388608xf32, #tpu.memory_space<hbm>> -> memref<16384xf32, #tpu.memory_space<hbm>>
        %dma_start3A_113 = tpu.memref_slice %arg2[%mul3A_111] : memref<8388608xf32, #tpu.memory_space<hbm>> -> memref<16384xf32, #tpu.memory_space<hbm>>
        tpu.enqueue_dma source(%dma_start3A_113 : memref<16384xf32, #tpu.memory_space<hbm>>) target(%arg5 : memref<16384xf32, #tpu.memory_space<vmem>>) target_semaphore(%arg13 : memref<!tpu.dma_semaphore, #tpu.memory_space<semaphore_mem>>)
      } else {
      }
      %add3A_85 = arith.constant 1 : i32
      %add3A_86 = arith.addi %mul3A_25, %add3A_85 : i32
      %dma_wait3A_87 = arith.constant 0 : i32
      %dma_wait3A_88 = arith.constant 0 : i32
      %dma_wait3A_89 = tpu.memref_slice %arg12[%dma_wait3A_87, %dma_wait3A_88] : memref<2048x16xf32, #tpu.memory_space<vmem>> -> memref<2048x16xf32, #tpu.memory_space<vmem>>
      %dma_wait3A_90 = arith.constant 0 : i32
      %dma_wait3A_91 = tpu.memref_slice %arg8[%dma_wait3A_90] : memref<2048xi32, #tpu.memory_space<vmem>> -> memref<2048xi32, #tpu.memory_space<vmem>>
      %dma_wait3A_92 = arith.constant 0 : i32
      %dma_wait3A_93 = arith.constant 0 : i32
      %dma_wait3A_94 = tpu.memref_slice %arg3[%dma_wait3A_92, %dma_wait3A_93] : memref<65536x16xf32, #tpu.memory_space<hbm>> -> memref<65536x16xf32, #tpu.memory_space<hbm>>
      tpu.wait_indirect_dma semaphore(%arg16 : memref<!tpu.dma_semaphore, #tpu.memory_space<semaphore_mem>>) src(%dma_wait3A_94 : memref<65536x16xf32, #tpu.memory_space<hbm>>) dst(%dma_wait3A_89 : memref<2048x16xf32, #tpu.memory_space<vmem>>)
      %parallel_loop3A_95 = arith.constant 0 : i32
      %parallel_loop3A_96 = arith.constant 128 : i32
      %parallel_loop3A_97 = arith.constant 1 : i32
      scf.for %parallel_loop3A_103 = %parallel_loop3A_95 to %parallel_loop3A_96 step %parallel_loop3A_97  : i32 {
        %parallel_loop3A_104 = arith.constant 16 : i32
        %parallel_loop3A_105 = arith.muli %parallel_loop3A_103, %parallel_loop3A_104 : i32
        %parallel_loop3A_106 = arith.index_cast %parallel_loop3A_105 : i32 to index
        %parallel_loop3A_107 = tpu.vector_load %arg10[%parallel_loop3A_106] {strides = array<i32>} : memref<2048xf32, #tpu.memory_space<vmem>>, vector<16xf32>,
        %parallel_loop3A_108 = arith.constant 16 : i32
        %parallel_loop3A_109 = arith.muli %parallel_loop3A_103, %parallel_loop3A_108 : i32
        %parallel_loop3A_110 = vector.broadcast %parallel_loop3A_109 : i32 to vector<16xi32>
        %parallel_loop3A_111 = arith.addi %parallel_loop3A_110, %iota3A : vector<16xi32>
        %parallel_loop3A_112 = arith.constant 0 : i32
        %parallel_loop3A_113 = vector.broadcast %parallel_loop3A_112 : i32 to vector<16xi32>
        %parallel_loop3A_114 = tpu.vector_load_idx %arg12[%parallel_loop3A_111, %parallel_loop3A_113] : memref<2048x16xf32, #tpu.memory_space<vmem>>[vector<16xi32>, vector<16xi32>], vector<16xf32>,
        %parallel_loop3A_115 = arith.mulf %parallel_loop3A_114, %parallel_loop3A_107 : vector<16xf32>
        tpu.vector_store_idx %arg12[%parallel_loop3A_111, %parallel_loop3A_113], %parallel_loop3A_115 : memref<2048x16xf32, #tpu.memory_space<vmem>>[vector<16xi32>, vector<16xi32>], vector<16xf32>,
        %parallel_loop3A_116 = arith.constant 1 : i32
        %parallel_loop3A_117 = vector.broadcast %parallel_loop3A_116 : i32 to vector<16xi32>
        %parallel_loop3A_118 = tpu.vector_load_idx %arg12[%parallel_loop3A_111, %parallel_loop3A_117] : memref<2048x16xf32, #tpu.memory_space<vmem>>[vector<16xi32>, vector<16xi32>], vector<16xf32>,
        %parallel_loop3A_119 = arith.mulf %parallel_loop3A_118, %parallel_loop3A_107 : vector<16xf32>
        tpu.vector_store_idx %arg12[%parallel_loop3A_111, %parallel_loop3A_117], %parallel_loop3A_119 : memref<2048x16xf32, #tpu.memory_space<vmem>>[vector<16xi32>, vector<16xi32>], vector<16xf32>,
        %parallel_loop3A_120 = arith.constant 2 : i32
        %parallel_loop3A_121 = vector.broadcast %parallel_loop3A_120 : i32 to vector<16xi32>
        %parallel_loop3A_122 = tpu.vector_load_idx %arg12[%parallel_loop3A_111, %parallel_loop3A_121] : memref<2048x16xf32, #tpu.memory_space<vmem>>[vector<16xi32>, vector<16xi32>], vector<16xf32>,
        %parallel_loop3A_123 = arith.mulf %parallel_loop3A_122, %parallel_loop3A_107 : vector<16xf32>
        tpu.vector_store_idx %arg12[%parallel_loop3A_111, %parallel_loop3A_121], %parallel_loop3A_123 : memref<2048x16xf32, #tpu.memory_space<vmem>>[vector<16xi32>, vector<16xi32>], vector<16xf32>,
        %parallel_loop3A_124 = arith.constant 3 : i32
        %parallel_loop3A_125 = vector.broadcast %parallel_loop3A_124 : i32 to vector<16xi32>
        %parallel_loop3A_126 = tpu.vector_load_idx %arg12[%parallel_loop3A_111, %parallel_loop3A_125] : memref<2048x16xf32, #tpu.memory_space<vmem>>[vector<16xi32>, vector<16xi32>], vector<16xf32>,
        %parallel_loop3A_127 = arith.mulf %parallel_loop3A_126, %parallel_loop3A_107 : vector<16xf32>
        tpu.vector_store_idx %arg12[%parallel_loop3A_111, %parallel_loop3A_125], %parallel_loop3A_127 : memref<2048x16xf32, #tpu.memory_space<vmem>>[vector<16xi32>, vector<16xi32>], vector<16xf32>,
        %parallel_loop3A_128 = arith.constant 4 : i32
        %parallel_loop3A_129 = vector.broadcast %parallel_loop3A_128 : i32 to vector<16xi32>
        %parallel_loop3A_130 = tpu.vector_load_idx %arg12[%parallel_loop3A_111, %parallel_loop3A_129] : memref<2048x16xf32, #tpu.memory_space<vmem>>[vector<16xi32>, vector<16xi32>], vector<16xf32>,
        %parallel_loop3A_131 = arith.mulf %parallel_loop3A_130, %parallel_loop3A_107 : vector<16xf32>
        tpu.vector_store_idx %arg12[%parallel_loop3A_111, %parallel_loop3A_129], %parallel_loop3A_131 : memref<2048x16xf32, #tpu.memory_space<vmem>>[vector<16xi32>, vector<16xi32>], vector<16xf32>,
        %parallel_loop3A_132 = arith.constant 5 : i32
        %parallel_loop3A_133 = vector.broadcast %parallel_loop3A_132 : i32 to vector<16xi32>
        %parallel_loop3A_134 = tpu.vector_load_idx %arg12[%parallel_loop3A_111, %parallel_loop3A_133] : memref<2048x16xf32, #tpu.memory_space<vmem>>[vector<16xi32>, vector<16xi32>], vector<16xf32>,
        %parallel_loop3A_135 = arith.mulf %parallel_loop3A_134, %parallel_loop3A_107 : vector<16xf32>
        tpu.vector_store_idx %arg12[%parallel_loop3A_111, %parallel_loop3A_133], %parallel_loop3A_135 : memref<2048x16xf32, #tpu.memory_space<vmem>>[vector<16xi32>, vector<16xi32>], vector<16xf32>,
        %parallel_loop3A_136 = arith.constant 6 : i32
        %parallel_loop3A_137 = vector.broadcast %parallel_loop3A_136 : i32 to vector<16xi32>
        %parallel_loop3A_138 = tpu.vector_load_idx %arg12[%parallel_loop3A_111, %parallel_loop3A_137] : memref<2048x16xf32, #tpu.memory_space<vmem>>[vector<16xi32>, vector<16xi32>], vector<16xf32>,
        %parallel_loop3A_139 = arith.mulf %parallel_loop3A_138, %parallel_loop3A_107 : vector<16xf32>
        tpu.vector_store_idx %arg12[%parallel_loop3A_111, %parallel_loop3A_137], %parallel_loop3A_139 : memref<2048x16xf32, #tpu.memory_space<vmem>>[vector<16xi32>, vector<16xi32>], vector<16xf32>,
        %parallel_loop3A_140 = arith.constant 7 : i32
        %parallel_loop3A_141 = vector.broadcast %parallel_loop3A_140 : i32 to vector<16xi32>
        %parallel_loop3A_142 = tpu.vector_load_idx %arg12[%parallel_loop3A_111, %parallel_loop3A_141] : memref<2048x16xf32, #tpu.memory_space<vmem>>[vector<16xi32>, vector<16xi32>], vector<16xf32>,
        %parallel_loop3A_143 = arith.mulf %parallel_loop3A_142, %parallel_loop3A_107 : vector<16xf32>
        tpu.vector_store_idx %arg12[%parallel_loop3A_111, %parallel_loop3A_141], %parallel_loop3A_143 : memref<2048x16xf32, #tpu.memory_space<vmem>>[vector<16xi32>, vector<16xi32>], vector<16xf32>,
        %parallel_loop3A_144 = arith.constant 8 : i32
        %parallel_loop3A_145 = vector.broadcast %parallel_loop3A_144 : i32 to vector<16xi32>
        %parallel_loop3A_146 = tpu.vector_load_idx %arg12[%parallel_loop3A_111, %parallel_loop3A_145] : memref<2048x16xf32, #tpu.memory_space<vmem>>[vector<16xi32>, vector<16xi32>], vector<16xf32>,
        %parallel_loop3A_147 = arith.mulf %parallel_loop3A_146, %parallel_loop3A_107 : vector<16xf32>
        tpu.vector_store_idx %arg12[%parallel_loop3A_111, %parallel_loop3A_145], %parallel_loop3A_147 : memref<2048x16xf32, #tpu.memory_space<vmem>>[vector<16xi32>, vector<16xi32>], vector<16xf32>,
        %parallel_loop3A_148 = arith.constant 9 : i32
        %parallel_loop3A_149 = vector.broadcast %parallel_loop3A_148 : i32 to vector<16xi32>
        %parallel_loop3A_150 = tpu.vector_load_idx %arg12[%parallel_loop3A_111, %parallel_loop3A_149] : memref<2048x16xf32, #tpu.memory_space<vmem>>[vector<16xi32>, vector<16xi32>], vector<16xf32>,
        %parallel_loop3A_151 = arith.mulf %parallel_loop3A_150, %parallel_loop3A_107 : vector<16xf32>
        tpu.vector_store_idx %arg12[%parallel_loop3A_111, %parallel_loop3A_149], %parallel_loop3A_151 : memref<2048x16xf32, #tpu.memory_space<vmem>>[vector<16xi32>, vector<16xi32>], vector<16xf32>,
        %parallel_loop3A_152 = arith.constant 10 : i32
        %parallel_loop3A_153 = vector.broadcast %parallel_loop3A_152 : i32 to vector<16xi32>
        %parallel_loop3A_154 = tpu.vector_load_idx %arg12[%parallel_loop3A_111, %parallel_loop3A_153] : memref<2048x16xf32, #tpu.memory_space<vmem>>[vector<16xi32>, vector<16xi32>], vector<16xf32>,
        %parallel_loop3A_155 = arith.mulf %parallel_loop3A_154, %parallel_loop3A_107 : vector<16xf32>
        tpu.vector_store_idx %arg12[%parallel_loop3A_111, %parallel_loop3A_153], %parallel_loop3A_155 : memref<2048x16xf32, #tpu.memory_space<vmem>>[vector<16xi32>, vector<16xi32>], vector<16xf32>,
        %parallel_loop3A_156 = arith.constant 11 : i32
        %parallel_loop3A_157 = vector.broadcast %parallel_loop3A_156 : i32 to vector<16xi32>
        %parallel_loop3A_158 = tpu.vector_load_idx %arg12[%parallel_loop3A_111, %parallel_loop3A_157] : memref<2048x16xf32, #tpu.memory_space<vmem>>[vector<16xi32>, vector<16xi32>], vector<16xf32>,
        %parallel_loop3A_159 = arith.mulf %parallel_loop3A_158, %parallel_loop3A_107 : vector<16xf32>
        tpu.vector_store_idx %arg12[%parallel_loop3A_111, %parallel_loop3A_157], %parallel_loop3A_159 : memref<2048x16xf32, #tpu.memory_space<vmem>>[vector<16xi32>, vector<16xi32>], vector<16xf32>,
        %parallel_loop3A_160 = arith.constant 12 : i32
        %parallel_loop3A_161 = vector.broadcast %parallel_loop3A_160 : i32 to vector<16xi32>
        %parallel_loop3A_162 = tpu.vector_load_idx %arg12[%parallel_loop3A_111, %parallel_loop3A_161] : memref<2048x16xf32, #tpu.memory_space<vmem>>[vector<16xi32>, vector<16xi32>], vector<16xf32>,
        %parallel_loop3A_163 = arith.mulf %parallel_loop3A_162, %parallel_loop3A_107 : vector<16xf32>
        tpu.vector_store_idx %arg12[%parallel_loop3A_111, %parallel_loop3A_161], %parallel_loop3A_163 : memref<2048x16xf32, #tpu.memory_space<vmem>>[vector<16xi32>, vector<16xi32>], vector<16xf32>,
        %parallel_loop3A_164 = arith.constant 13 : i32
        %parallel_loop3A_165 = vector.broadcast %parallel_loop3A_164 : i32 to vector<16xi32>
        %parallel_loop3A_166 = tpu.vector_load_idx %arg12[%parallel_loop3A_111, %parallel_loop3A_165] : memref<2048x16xf32, #tpu.memory_space<vmem>>[vector<16xi32>, vector<16xi32>], vector<16xf32>,
        %parallel_loop3A_167 = arith.mulf %parallel_loop3A_166, %parallel_loop3A_107 : vector<16xf32>
        tpu.vector_store_idx %arg12[%parallel_loop3A_111, %parallel_loop3A_165], %parallel_loop3A_167 : memref<2048x16xf32, #tpu.memory_space<vmem>>[vector<16xi32>, vector<16xi32>], vector<16xf32>,
        %parallel_loop3A_168 = arith.constant 14 : i32
        %parallel_loop3A_169 = vector.broadcast %parallel_loop3A_168 : i32 to vector<16xi32>
        %parallel_loop3A_170 = tpu.vector_load_idx %arg12[%parallel_loop3A_111, %parallel_loop3A_169] : memref<2048x16xf32, #tpu.memory_space<vmem>>[vector<16xi32>, vector<16xi32>], vector<16xf32>,
        %parallel_loop3A_171 = arith.mulf %parallel_loop3A_170, %parallel_loop3A_107 : vector<16xf32>
        tpu.vector_store_idx %arg12[%parallel_loop3A_111, %parallel_loop3A_169], %parallel_loop3A_171 : memref<2048x16xf32, #tpu.memory_space<vmem>>[vector<16xi32>, vector<16xi32>], vector<16xf32>,
        %parallel_loop3A_172 = arith.constant 15 : i32
        %parallel_loop3A_173 = vector.broadcast %parallel_loop3A_172 : i32 to vector<16xi32>
        %parallel_loop3A_174 = tpu.vector_load_idx %arg12[%parallel_loop3A_111, %parallel_loop3A_173] : memref<2048x16xf32, #tpu.memory_space<vmem>>[vector<16xi32>, vector<16xi32>], vector<16xf32>,
        %parallel_loop3A_175 = arith.mulf %parallel_loop3A_174, %parallel_loop3A_107 : vector<16xf32>
        tpu.vector_store_idx %arg12[%parallel_loop3A_111, %parallel_loop3A_173], %parallel_loop3A_175 : memref<2048x16xf32, #tpu.memory_space<vmem>>[vector<16xi32>, vector<16xi32>], vector<16xf32>,
      } {sc.loop_unroll_factor = 1 : i64, sc.parallel_access}
      %mul3A_98 = arith.constant 8 : i32
      %mul3A_99 = arith.muli %add3A_86, %mul3A_98 : i32
      %add3A_100 = arith.addi %mul3A_7, %mul3A_99 : i32
      %mul3A_101 = arith.constant 256 : i32
      %mul3A_102 = arith.muli %add3A_100, %mul3A_101 : i32
      "tpu.region"() ({
        %run_scoped3A = tpu.sem_alloc : memref<!tpu.dma_semaphore, #tpu.memory_space<semaphore_mem>>
        %dma_start3A_103 = arith.constant 0 : i32
        %dma_start3A_104 = tpu.memref_slice %arg4[%mul3A_102, %dma_start3A_103] : memref<1048576x16xf32, #tpu.memory_space<hbm>> -> memref<2048x16xf32, #tpu.memory_space<hbm>>
        %dma_start3A_105 = arith.constant 0 : i32
        %dma_start3A_106 = tpu.memref_slice %arg4[%mul3A_102, %dma_start3A_105] : memref<1048576x16xf32, #tpu.memory_space<hbm>> -> memref<2048x16xf32, #tpu.memory_space<hbm>>
        tpu.enqueue_dma source(%arg12 : memref<2048x16xf32, #tpu.memory_space<vmem>>) target(%dma_start3A_106 : memref<2048x16xf32, #tpu.memory_space<hbm>>) target_semaphore(%run_scoped3A : memref<!tpu.dma_semaphore, #tpu.memory_space<semaphore_mem>>)
        %dma_wait3A_107 = arith.constant 0 : i32
        %dma_wait3A_108 = tpu.memref_slice %arg4[%mul3A_102, %dma_wait3A_107] : memref<1048576x16xf32, #tpu.memory_space<hbm>> -> memref<2048x16xf32, #tpu.memory_space<hbm>>
        %dma_wait3A_109 = arith.constant 0 : i32
        %dma_wait3A_110 = tpu.memref_slice %arg4[%mul3A_102, %dma_wait3A_109] : memref<1048576x16xf32, #tpu.memory_space<hbm>> -> memref<2048x16xf32, #tpu.memory_space<hbm>>
        tpu.wait_dma2 semaphore(%run_scoped3A : memref<!tpu.dma_semaphore, #tpu.memory_space<semaphore_mem>>) src(%arg12 : memref<2048x16xf32, #tpu.memory_space<vmem>>) dst(%dma_wait3A_110 : memref<2048x16xf32, #tpu.memory_space<hbm>>)
        tpu.yield
      }) : () -> ()
    }
    %scan3A_18 = arith.constant 8 : i32
    return
  }
}

</mosaic_0001>

<sc_bundles>
// kernel: kernel.3.cloned.1.call-start
scs
__scs_entry_jumppad:
0x0: {  	(pc) =	sbr.rel $0x88, $3  }
0x1: {  	(tag) =	ssettag $0x0;
	lr =	simm.s32 $0x1  }
0x2: {  	[smem:$0x3F9F] =	sst lr;
	_ =	strace $0xD0000000  }
0x3: {  	_ = 	snop  }
0x4: {  	_ = 	snop  }
0x5: {  	_ = 	snop  }
0x6: {  	_ = 	snop  }
0x7: {  	_ = 	snop  }
__scs_overlays_trampoline_lowered:
0x8: {  	[smem:$0x3FAE] =	sst s0  }
0x9: {  	[smem:$0x3FAF] =	sst s1  }
0xa: {  	[smem:$0x3FB0] =	sst s2  }
0xb: {  	[smem:$0x3FB1] =	sst s3  }
0xc: {  	[smem:$0x3FB2] =	sst s4  }
0xd: {  	[smem:$0x3FB3] =	sst s5  }
0xe: {  	[smem:$0x3FB4] =	sst s6  }
0xf: {  	[smem:$0x3FB5] =	sst s7  }
0x10: {  	[smem:$0x3FB6] =	sst s8  }
0x11: {  	[smem:$0x3FB7] =	sst s9;
	s0 =	simm.s32 @!p0 $0x0  }
0x12: {  	s1 =	sld [smem:$0x3F9D];
	s0 =	simm.s32 @p0 $0x1  }
0x13: {  	[smem:$0x3FB8] =	sst s0;
	s0 =	simm.s32 @!p1 $0x0  }
0x14: {  	s2 =	sld [smem:$0x3F9C];
	s0 =	simm.s32 @p1 $0x1  }
0x15: {  	[smem:$0x3FB9] =	sst s0;
	s0 =	simm.s32 @!p2 $0x0  }
0x16: {  	s3 =	sld [smem:$0x3FDB];
	s0 =	simm.s32 @p2 $0x1  }
0x17: {  	s4 =	simm.s32 $0x1BF5;
	[smem:$0x3FBB] =	sst s0  }
0x18: {  	s0 =	sld [smem:$0x3F9E];
	_ =	swait.ge [sflag:s4], $0x0  }
0x19: {  	s7 =	sld [smem:$0x3F9F]  }
0x1a: {  	s8 =	sadd.s32 $0xFFFFE003, lr  }
0x1b: {  	s9 =	sadd.s32 $0xFFFFFEF7, lr;
	s5 =	simm.s32 $0xFFFFFFFF;
	p2 =	slt.u32 s8, $0xFFFFF086  }
0x1c: {  	p1 =	slt.u32 s9, $0xF7A;
	s5 =	simm.s32 @!p2 $0x0  }
0x1d: {  	s5 =	simm.s32 @p1 $0x1;
	p0 =	seq.s32 s7, s2  }
0x1e: {  	s7 =	smul.u32 @!p0 $0xF7A, s2;
	p2 =	seq.s32 @!p0 s5, $0x0  }
0x1f: {  	s9 =	smul.u32 $0xF7A, s1;
	s8 =	simm.s32 @!p0 $0x1BF5;
	p2 =	por !p2, p0  }
0x20: {  	[sflag:s8] =	ssyncset.s32 @!p0 $0xFFFFF086;
	s6 =	sadd.s32 @!p0 s3, s7;
	s7 =	simm.s32 @!p0 $0x108  }
0x21: {  	s3 =	sadd.s32 s3, s9;
	s6 =	sadd.s32 @!p0 $0x88, s6;
	s7 =	simm.s32 @p2 $0x1082  }
0x22: {  	[simem:s7], [sflag:s8] =	dma.local @!p0 [hbm:s6], $0xF7A  }
0x23: {  	s9 =	sor.u32 $0xD0000000, s2;
	s6 =	simm.s32 $0x108;
	_ =	swait.ge @!p0 [sflag:s8], $0x0  }
0x24: {  	s3 =	sadd.s32 $0x88, s3;
	s6 =	simm.s32 @!p1 $0x1082;
	[sflag:s4] =	ssyncset.s32 $0xFFFFF086  }
0x25: {  	[simem:s6], [sflag:s4] =	dma.local [hbm:s3], $0xF7A  }
0x26: {  	[smem:$0x3F9F] =	sst s1;
	(tag) =	ssettag s2;
	_ =	strace s9  }
0x27: {  	s1 =	sld [smem:$0x3FAF]  }
0x28: {  	s2 =	sld [smem:$0x3FB0]  }
0x29: {  	s4 =	sld [smem:$0x3FB2]  }
0x2a: {  	p0 =	seq.s32 s5, $0x0;
	s5 =	sld [smem:$0x3FB3]  }
0x2b: {  	s6 =	sld [smem:$0x3FB4]  }
0x2c: {  	s7 =	sld [smem:$0x3FB5]  }
0x2d: {  	s3 =	simm.s32 $0x108;
	s8 =	sld [smem:$0x3FB6]  }
0x2e: {  	s3 =	simm.s32 @!p0 $0x1082;
	s9 =	sld [smem:$0x3FB7]  }
0x2f: {  	lr =	sadd.s32 s0, s3;
	s0 =	sld [smem:$0x3FAE]  }
0x30: {  	s3 =	sld [smem:$0x3FB1]  }
0x31: {  	[smem:$0x3FBA] =	sst s10  }
0x32: {  	s10 =	sld [smem:$0x3FB8];
	_ =	sdelay $0x3  }
0x33: {  	p0 =	seq.s32 s10, $0x1;
	s10 =	sld [smem:$0x3FBA];
	_ =	sdelay $0x3  }
0x34: {  	[smem:$0x3FBA] =	sst s10  }
0x35: {  	s10 =	sld [smem:$0x3FB9];
	_ =	sdelay $0x3  }
0x36: {  	p1 =	seq.s32 s10, $0x1;
	s10 =	sld [smem:$0x3FBA];
	_ =	sdelay $0x3  }
0x37: {  	[smem:$0x3FBA] =	sst s10  }
0x38: {  	s10 =	sld [smem:$0x3FBB]  }
0x39: {  	_ = 	snop;
	(pc) =	sbr.ind lr, $3  }
0x3a: {  	_ = 	snop  }
0x3b: {  	_ = 	snop  }
0x3c: {  	p2 =	seq.s32 s10, $0x1;
	s10 =	sld [smem:$0x3FBA]  }
0x3d: {  	_ =	shalt  }
0x3e: {  	_ =	shalt  }
0x3f: {  	_ =	shalt  }
0x40: {  	_ =	shalt  }
0x41: {  	_ =	shalt  }
0x42: {  	_ =	shalt  }
0x43: {  	_ =	shalt  }
0x44: {  	_ =	shalt  }
0x45: {  	_ =	shalt  }
0x46: {  	_ =	shalt  }
0x47: {  	_ =	shalt  }
0x48: {  	_ =	shalt  }
0x49: {  	_ =	shalt  }
0x4a: {  	_ =	shalt  }
0x4b: {  	_ =	shalt  }
0x4c: {  	_ =	shalt  }
0x4d: {  	_ =	shalt  }
0x4e: {  	_ =	shalt  }
0x4f: {  	_ =	shalt  }
0x50: {  	_ =	shalt  }
0x51: {  	_ =	shalt  }
0x52: {  	_ =	shalt  }
0x53: {  	_ =	shalt  }
0x54: {  	_ =	shalt  }
0x55: {  	_ =	shalt  }
0x56: {  	_ =	shalt  }
0x57: {  	_ =	shalt  }
0x58: {  	_ =	shalt  }
0x59: {  	_ =	shalt  }
0x5a: {  	_ =	shalt  }
0x5b: {  	_ =	shalt  }
0x5c: {  	_ =	shalt  }
0x5d: {  	_ =	shalt  }
0x5e: {  	_ =	shalt  }
0x5f: {  	_ =	shalt  }
0x60: {  	_ =	shalt  }
0x61: {  	_ =	shalt  }
0x62: {  	_ =	shalt  }
0x63: {  	_ =	shalt  }
0x64: {  	_ =	shalt  }
0x65: {  	_ =	shalt  }
0x66: {  	_ =	shalt  }
0x67: {  	_ =	shalt  }
0x68: {  	_ =	shalt  }
0x69: {  	_ =	shalt  }
0x6a: {  	_ =	shalt  }
0x6b: {  	_ =	shalt  }
0x6c: {  	_ =	shalt  }
0x6d: {  	_ =	shalt  }
0x6e: {  	_ =	shalt  }
0x6f: {  	_ =	shalt  }
0x70: {  	_ =	shalt  }
0x71: {  	_ =	shalt  }
0x72: {  	_ =	shalt  }
0x73: {  	_ =	shalt  }
0x74: {  	_ =	shalt  }
0x75: {  	_ =	shalt  }
0x76: {  	_ =	shalt  }
0x77: {  	_ =	shalt  }
0x78: {  	_ =	shalt  }
0x79: {  	_ =	shalt  }
0x7a: {  	_ =	shalt  }
0x7b: {  	_ =	shalt  }
0x7c: {  	_ =	shalt  }
0x7d: {  	_ =	shalt  }
0x7e: {  	_ =	shalt  }
0x7f: {  	_ =	shalt  }
0x80: {  	_ =	shalt  }
0x81: {  	_ =	shalt  }
0x82: {  	_ =	shalt  }
0x83: {  	_ =	shalt  }
0x84: {  	_ =	shalt  }
0x85: {  	_ =	shalt  }
0x86: {  	_ =	shalt  }
0x87: {  	_ =	shalt  }
.Lfunc_end0:
.L_simem_size_0:
called_computation.1_lowered:
.L_overlay_start_0:
0x88: {  	s2 =	sld [smem:$0x3FD9]  }
0x89: {  	s3 =	sld [smem:$0x3FFE];
	_ =	sdelay $0x1  }
0x8a: {  	s1 =	srdreg.scid  }
0x8b: {  	s0 =	sand.u32 $0x1, s1  }
0x8c: {  	s16 =	sshll.u32 s0, $0xA;
	s2 =	sadd.s32 s3, s2  }
0x8d: {  	s2 =	sadd.s32 s2, s16  }
0x8e: {  	[smem:$0x3FC6] =	sst s2  }
0x8f: {  	_ = 	snop  }
0x90: {  	(tm) =	ssettm $0x1  }
0x91: {  	s17 =	sld [smem:$0x3FFB];
	_ =	sdelay $0x3  }
0x92: {  	_ =	strace s17  }
0x93: {  	s2 =	sld [smem:$0x3FFC];
	_ =	sdelay $0x3  }
0x94: {  	_ =	strace s2  }
0x95: {  	s2 =	sld [smem:$0x3FFD];
	_ =	sdelay $0x3  }
0x96: {  	_ =	strace s2  }
0x97: {  	_ =	strace $0x8FFFFFFF  }
0x98: {  	s18 =	sld [smem:$0x3FDB];
	_ =	sdelay $0x1  }
0x99: {  	s19 =	simm.s32 $_scs_section_size  }
0x9a: {  	s4 =	simm.s32 $_size__tile_overlayer_lowered;
	s5 =	simm.s32 $_tile_overlayer_lowered  }
0x9b: {  	s22 =	simm.s32 $0x1BFF;
	s21 =	sshll.u32 s5, $0x1;
	s2 =	sadd.s32 s19, s18  }
0x9c: {  	s6 =	simm.s32 $0x0;
	s20 =	sshll.u32 s4, $0x1;
	s4 =	sadd.s32 s21, s2  }
0x9d: {  	[timem:s6], [sflag:s22] =	dma.local [hbm:s4], s20  }
0x9e: {  	_ =	swait.ge [sflag:s22], s20  }
0x9f: {  	s3 =	ssub.s32 $0x0, s20;
	[sflag:s22] =	ssyncset.done $0x0  }
0xa0: {  	[sflag:s22] =	ssyncadd.s32 s3;
	_ =	sdelay $0x1  }
0xa1: {  	s23 =	simm.s32 $0x1B8B  }
0xa2: {  	_ =	swait.ge [sflag:s23], $0x1  }
0xa3: {  	[sflag:s23] =	ssyncset.done $0x0  }
0xa4: {  	s25 =	simm.s32 $0x1B8E;
	s24 =	sld [smem:$0x3FFE];
	[sflag:s23] =	ssyncadd.s32 $0xFFFFFFFF  }
0xa5: {  	s26 =	simm.s32 $execute0_lowered;
	[smem:$0x3FD2] =	sst s25  }
0xa6: {  	s4 =	sshll.u32 s26, $0x1;
	_ =	strace $0x80000049;
	[dreg:$0x1] =	wrdreg $0xFFFFFFFF  }
0xa7: {  	s28 =	simm.s32 $_size_execute0_lowered;
	s2 =	sadd.s32 s2, s4;
	[dreg:$0x0] =	wrdreg $0x0  }
0xa8: {  	s4 =	sshll.u32 s28, $0x1;
	[dreg:$0x2] =	wrdreg s2  }
0xa9: {  	[dreg:$0x3] =	wrdreg s4  }
0xaa: {  	[dreg:$0x4] =	wrdreg $0xC0  }
0xab: {  	_ =	task [dreg:s6], $0x5FFFF  }
0xac: {  	[dreg:$0x1] =	wrdreg $0xFFFFFFFF  }
0xad: {  	[dreg:$0x0] =	wrdreg $0x60  }
0xae: {  	[dreg:$0x2] =	wrdreg s24  }
0xaf: {  	[dreg:$0x3] =	wrdreg $0x9  }
0xb0: {  	_ =	task.clear_ibuf [dreg:s6], $0x4FFFF;
	_ =	strace $0x90000049  }
0xb1: {  	s29 =	simm.s32 $0x9;
	_ =	strace $0x8000004B  }
0xb2: {  	_ =	swait.ge [sflag:s29], $0x1  }
0xb3: {  	[sflag:s29] =	ssyncadd.s32 $0xFFFFFFFF  }
0xb4: {  	_ =	strace $0x9000004B  }
0xb5: {  	_ =	sfence  }
0xb6: {  	s30 =	sld [smem:$0x0];
	_ =	sdelay $0x2  }
0xb7: {  	s31 =	sshll.u32 s1, $0xD;
	s1 =	sshrl.u32 s1, $0x2  }
0xb8: {  	s3 =	sand.u32 $0x4000, s31;
	s1 =	sadd.s32 s1, s30  }
0xb9: {  	s0 =	sor.u32 s3, s0;
	s1 =	sshll.u32 s1, $0x11  }
0xba: {  	s0 =	sor.u32 s1, s0  }
0xbb: {  	s0 =	sadd.s32 $0x8F2B, s0  }
0xbc: {  	[sflag:s0] =	ssyncadd.remote.s32 $0x1  }
0xbd: {  	_ =	sfence.sel $0xFFFF  }
0xbe: {  	[dreg:$0x0] =	wrdreg $0xFFFFFFFF;
	(pc) =	sbr.abs _section_cstart, $3  }
0xbf: {  	[dreg:$0x1] =	wrdreg $0xFFFFFFFF  }
0xc0: {  	_ =	task.clear_ibuf [dreg:s6], $0x2FFFF;
	_ =	strace $0x9FFFFFFF  }
0xc1: {  	(tm) =	ssettm $0x7FFFFFFF  }
tec
execute0_lowered:
.L_overlay_start_1:
0x0: {  	(tag) =	ssettag $0x1  }
0x1: {  	s5 =	rddreg [dreg:$0x0]  }
0x2: {  	s0 =	rddreg [dreg:$0x1];
	s1 =	simm.s32 $0x0  }
0x3: {  	s4 =	srdreg.scid;
	s2 =	stileid.u32;
	s11 =	simm.s32 $0x1  }
0x4: {  	s12 =	simm.s32 $0x800;
	s13 =	simm.s32 $0x8000;
	s14 =	simm.s32 $0xA000  }
0x5: {  	s15 =	simm.s32 $0x4000;
	s16 =	simm.s32 $0x3;
	s17 =	simm.s32 $0x5  }
0x6: {  	s18 =	simm.s32 $0x2;
	s19 =	simm.s32 $0x8800;
	s20 =	simm.s32 $0x12000  }
0x7: {  	s21 =	simm.s32 $0x4;
	s22 =	simm.s32 $0x0;
	[smem:$0x7FF] =	sst s1  }
0x8: {  	v10 =	vlaneseq.u32;
	s3 =	sadd.s32 $0xA00, s5;
	s6 =	sand.u32 $0x1, s4;
	s4 =	sadd.s32 $0x100A00, s5  }
0x9: {  	s8 =	sshll.u32 s2, $0x1;
	s5 =	sadd.s32 $0x120A00, s5;
	v0 =	vmul.u32 $0x8, v10;
	s7 =	ssub.s32 $0x2, s6  }
0xa: {  	v1 =	vimm.s32 $0x0;
	_ =	strace $0x8000004A;
	s8 =	sor.u32 s6, s8;
	s9 =	sshrl.u32 s7, $0x1  }
0xb: {  	v5 =	vmul.u32 $0x100, v10;
	v10 =	vmul.u32 $0x10, v10;
	s31 =	sshll.u32 s8, $0x7;
	s6 =	sshll.u32 s8, $0xF;
	s8 =	sshll.u32 s8, $0x10;
	v2 =	vor.u32 $0x1, v0  }
0xc: {  	v3 =	vor.u32 $0x2, v0;
	v4 =	vor.u32 $0x3, v0;
	v6 =	vor.u32 $0x4, v0;
	s10 =	ssub.s32 s7, s9;
	s6 =	sadd.s32 s3, s6;
	s7 =	sor.u32 $0x8, s31  }
0xd: {  	v7 =	vor.u32 $0x5, v0;
	v8 =	vor.u32 $0x6, v0;
	v9 =	vor.u32 $0x7, v0;
	s8 =	sadd.s32 s5, s8;
	s9 =	sadd.s32 $0x1000, s6;
	s10 =	smax.u32 s10, $0x1  }
.LBB2_1:
0xe: {  	[tilespmem:s1], [sflag:$0x1] =	stream.linear.gather [hbm4b:s6+s1], $0x4000, $0x38;
	[tilespmem:$0x1A000] =	vst v63  }
0xf: {  	s23 =	simm.s32 $0x0  }
.LBB2_2:
0x10: {  	s24 =	simm.s32 $0x0  }
0x11: {  	v11 =	vor.u32 s24, v9  }
0x12: {  	v12 =	vor.u32 s24, v8  }
0x13: {  	_ =	swait.ge [sflag:s11], $0x4000;
	v13 =	vor.u32 s24, v7  }
0x14: {  	[sflag:s11] =	ssyncset.done $0x0;
	v14 =	vor.u32 s24, v6  }
0x15: {  	v15 =	vor.u32 s24, v4;
	[sflag:s11] =	ssyncadd.s32 $0xFFFFC000  }
0x16: {  	v16 =	vor.u32 s24, v3;
	v17 =	vld.idx.msk [tilespmem:v11+s1+$0x0], $0xffff  }
0x17: {  	s25 =	simm.s32 $0x80;
	v18 =	vor.u32 s24, v2;
	v12 =	vld.idx.msk [tilespmem:v12+s1+$0x0], $0xffff  }
0x18: {  	v25 =	vor.u32 s25, v4;
	v13 =	vld.idx.msk [tilespmem:v13+s1+$0x0], $0xffff  }
0x19: {  	v11 =	vor.u32 s24, v0;
	v14 =	vld.idx.msk [tilespmem:v14+s1+$0x0], $0xffff  }
0x1a: {  	v27 =	vor.u32 s25, v2;
	v15 =	vld.idx.msk [tilespmem:v15+s1+$0x0], $0xffff  }
0x1b: {  	v19 =	vor.u32 s25, v8;
	v20 =	vor.u32 s25, v9;
	v23 =	vmov s24;
	v16 =	vld.idx.msk [tilespmem:v16+s1+$0x0], $0xffff  }
0x1c: {  	v21 =	vor.u32 s25, v6;
	v22 =	vor.u32 s25, v7;
	v23 =	vshll.u32 v23, $0x8;
	v18 =	vld.idx.msk [tilespmem:v18+s1+$0x0], $0xffff  }
0x1d: {  	s31 =	simm.s32 $0x100;
	v24 =	vor.u32 s25, v3;
	v26 =	vor.u32 s25, v0;
	v23 =	vor.u32 v5, v23;
	v25 =	vld.idx.msk [tilespmem:v25+s1+$0x0], $0xffff  }
0x1e: {  	v60 =	vor.u32 s31, v9;
	v23 =	vand.u32 $0xFF00, v23;
	v11 =	vld.idx.msk [tilespmem:v11+s1+$0x0], $0xffff;
	v28 =	vand.u32 $0x7FFFFFFF, v12  }
0x1f: {  	v27 =	vld.idx.msk [tilespmem:v27+s1+$0x0], $0xffff;
	vm0 =	vge.f32 v17, $0.0e+00;
	v29 =	vand.u32 $0x7FFFFFFF, v14;
	v30 =	vand.u32 $0x7FFFFFFF, v13  }
0x20: {  	vm1 =	vge.f32 v12, $0.0e+00;
	v12 =	vand.u32 $0x7FFFFFFF, v15;
	vm2 =	vge.f32 v14, $0.0e+00  }
0x21: {  	vm3 =	vge.f32 v13, $0.0e+00;
	v13 =	vand.u32 $0x7FFFFFFF, v16;
	vm5 =	vge.f32 v15, $0.0e+00  }
0x22: {  	vm12 =	vge.f32 v18, $0.0e+00;
	vm13 =	vge.f32 v16, $0.0e+00;
	v16 =	vand.u32 $0x7FFFFFFF, v18  }
0x23: {  	v26 =	vld.idx.msk [tilespmem:v26+s1+$0x0], $0xffff;
	v63 =	vand.u32 $0x7FFFFFFF, v25;
	vm4 =	vge.f32 v11, $0.0e+00;
	v11 =	vand.u32 $0x7FFFFFFF, v11  }
0x24: {  	vm15 =	vge.f32 v25, $0.0e+00;
	v25 =	vand.u32 $0x7FFFFFFF, v27;
	v11 =	vmin.f32 v11, v16;
	v16 =	vld.idx.msk [tilespmem:v19+s1+$0x0], $0xffff  }
0x25: {  	v15 =	vsel vm12, $0x2, v1;
	v18 =	vsel vm13, $0x4, v1;
	v14 =	vsel vm4, $0x1, v1;
	v19 =	vld.idx.msk [tilespmem:v21+s1+$0x0], $0xffff  }
0x26: {  	v21 =	vld.idx.msk [tilespmem:v22+s1+$0x0], $0xffff;
	v22 =	vor.u32 s31, v7;
	v14 =	vor.u32 v14, v23;
	v11 =	vmin.f32 v11, v13  }
0x27: {  	v13 =	vsel vm2, $0x10, v1;
	v23 =	vor.u32 s31, v8;
	v14 =	vor.u32 v15, v14  }
0x28: {  	v15 =	vsel vm5, $0x8, v1;
	v12 =	vmin.f32 v11, v12;
	v14 =	vor.u32 v18, v14  }
0x29: {  	vm2 =	vge.f32 v26, $0.0e+00;
	v12 =	vmin.f32 v12, v29;
	v14 =	vor.u32 v15, v14  }
0x2a: {  	v11 =	vld.idx.msk [tilespmem:v20+s1+$0x0], $0xffff;
	v15 =	vsel vm3, $0x20, v1;
	v12 =	vmin.f32 v12, v30;
	v13 =	vor.u32 v13, v14  }
0x2b: {  	v14 =	vsel vm1, $0x40, v1;
	v12 =	vmin.f32 v12, v28;
	vm1 =	vge.f32 v16, $0.0e+00  }
0x2c: {  	v31 =	vand.u32 $0x7FFFFFFF, v19;
	vm3 =	vge.f32 v19, $0.0e+00;
	vm14 =	vge.f32 v21, $0.0e+00  }
0x2d: {  	v21 =	vand.u32 $0x7FFFFFFF, v21;
	v13 =	vor.u32 v15, v13;
	v15 =	vsel vm0, $0x80, v1  }
0x2e: {  	s26 =	simm.s32 $0x10;
	v13 =	vor.u32 v14, v13;
	v14 =	vand.u32 $0x7FFFFFFF, v17;
	v17 =	vor.u32 s31, v4  }
0x2f: {  	v24 =	vld.idx.msk [tilespmem:v24+s1+$0x0], $0xffff;
	vm0 =	vge.f32 v11, $0.0e+00;
	v61 =	vmin.f32 v12, v14;
	v12 =	vmov s26  }
0x30: {  	v20 =	vor.u32 v15, v13;
	v15 =	vor.u32 s31, v6;
	v18 =	vshll.u32 v12, $0x8  }
0x31: {  	v14 =	vor.u32 s31, v3;
	v62 =	vor.u32 v5, v18;
	v18 =	vand.u32 $0x7FFFFFFF, v16  }
0x32: {  	v16 =	vsel vm2, $0x1, v1;
	vm2 =	vge.f32 v27, $0.0e+00;
	v30 =	vand.u32 $0xFF00, v62  }
0x33: {  	v13 =	vor.u32 s31, v0;
	v19 =	vsel vm2, $0x2, v1;
	v16 =	vor.u32 v16, v30  }
0x34: {  	v12 =	vor.u32 s31, v2;
	vm2 =	vge.f32 v24, $0.0e+00;
	v16 =	vor.u32 v19, v16  }
0x35: {  	v19 =	vand.u32 $0x7FFFFFFF, v24;
	v24 =	vand.u32 $0x7FFFFFFF, v26;
	v26 =	vsel vm2, $0x4, v1  }
0x36: {  	v24 =	vmin.f32 v24, v25;
	v25 =	vsel vm15, $0x8, v1;
	v26 =	vor.u32 v26, v16  }
0x37: {  	s24 =	simm.s32 $0x8000;
	v27 =	vsel vm3, $0x10, v1;
	v16 =	vld.idx.msk [tilespmem:v60+s1+$0x0], $0xffff;
	v24 =	vmin.f32 v24, v19;
	v25 =	vor.u32 v25, v26  }
0x38: {  	s25 =	simm.s32 $0x9000;
	[tilespmem:s24+$0x0] =	vst v20;
	v19 =	vld.idx.msk [tilespmem:v23+s1+$0x0], $0xffff;
	v26 =	vsel vm14, $0x20, v1;
	v23 =	vmin.f32 v24, v63;
	v25 =	vor.u32 v27, v25  }
0x39: {  	s28 =	simm.s32 $0x180;
	v20 =	vld.idx.msk [tilespmem:v22+s1+$0x0], $0xffff;
	v22 =	vsel vm1, $0x40, v1;
	[tilespmem:s25+$0x0] =	vst v61;
	v24 =	vmin.f32 v23, v31;
	v23 =	vor.u32 v26, v25  }
.LBB2_3:
0x3a: {  	p0 =	sne.s32 s28, $0x3F80;
	v25 =	vld.idx.msk [tilespmem:v15+s1+$0x0], $0xffff;
	v15 =	vmin.f32 v24, v21;
	v21 =	vsel vm0, $0x80, v1;
	v22 =	vor.u32 v22, v23  }
0x3b: {  	s24 =	sadd.s32 $0x10, s24;
	v23 =	vld.idx.msk [tilespmem:v17+s1+$0x0], $0xffff;
	v15 =	vmin.f32 v15, v18;
	v18 =	vand.u32 $0x7FFFFFFF, v11;
	v17 =	vor.u32 v21, v22  }
0x3c: {  	v24 =	vor.u32 s28, v9;
	s26 =	sadd.s32 $0x10, s26;
	s25 =	sadd.s32 $0x10, s25;
	v22 =	vor.u32 s28, v8;
	v26 =	vld.idx.msk [tilespmem:v14+s1+$0x0], $0xffff;
	v14 =	vmin.f32 v15, v18;
	[tilespmem:s24+$0x0] =	vst v17  }
0x3d: {  	v27 =	vor.u32 s28, v7;
	v15 =	vor.u32 s28, v6;
	v11 =	vmovc v16;
	v28 =	vld.idx.msk [tilespmem:v13+s1+$0x0], $0xffff;
	v13 =	vmov s26;
	[tilespmem:s25+$0x0] =	vst v14  }
0x3e: {  	v17 =	vor.u32 s28, v4;
	v14 =	vor.u32 s28, v3;
	v16 =	vld.idx.msk [tilespmem:v12+s1+$0x0], $0xffff;
	v18 =	vshll.u32 v13, $0x8  }
0x3f: {  	v13 =	vor.u32 s28, v0;
	v12 =	vor.u32 s28, v2;
	v21 =	vor.u32 v5, v18  }
0x40: {  	vm0 =	vge.f32 v11, $0.0e+00;
	v18 =	vand.u32 $0x7FFFFFFF, v19;
	v29 =	vand.u32 $0xFF00, v21  }
0x41: {  	vm1 =	vge.f32 v19, $0.0e+00;
	v30 =	vand.u32 $0x7FFFFFFF, v25;
	v21 =	vand.u32 $0x7FFFFFFF, v20  }
0x42: {  	vm3 =	vge.f32 v20, $0.0e+00;
	vm2 =	vge.f32 v25, $0.0e+00;
	v31 =	vand.u32 $0x7FFFFFFF, v23  }
0x43: {  	vm5 =	vge.f32 v23, $0.0e+00;
	v19 =	vand.u32 $0x7FFFFFFF, v26;
	vm4 =	vge.f32 v28, $0.0e+00  }
0x44: {  	v20 =	vand.u32 $0x7FFFFFFF, v28;
	v23 =	vsel vm4, $0x1, v1;
	vm4 =	vge.f32 v16, $0.0e+00  }
0x45: {  	v25 =	vsel vm4, $0x2, v1;
	vm4 =	vge.f32 v26, $0.0e+00;
	v23 =	vor.u32 v23, v29  }
.Ltmp0:
0x46: {  	v16 =	vand.u32 $0x7FFFFFFF, v16;
	v26 =	vsel vm4, $0x4, v1;
	v23 =	vor.u32 v25, v23;
	(pc) =	sbr.rel @p0 .LBB2_3-.Ltmp0, $4  }
0x47: {  	v20 =	vmin.f32 v20, v16;
	v25 =	vsel vm5, $0x8, v1;
	v23 =	vor.u32 v26, v23  }
0x48: {  	v20 =	vmin.f32 v20, v19;
	v23 =	vor.u32 v25, v23;
	v16 =	vld.idx.msk [tilespmem:v24+s1+$0x0], $0xffff;
	v24 =	vsel vm2, $0x10, v1  }
0x49: {  	v25 =	vsel vm3, $0x20, v1;
	v19 =	vld.idx.msk [tilespmem:v22+s1+$0x0], $0xffff;
	v22 =	vmin.f32 v20, v31;
	v23 =	vor.u32 v24, v23  }
0x4a: {  	s28 =	sadd.s32 $0x80, s28;
	v20 =	vld.idx.msk [tilespmem:v27+s1+$0x0], $0xffff;
	v24 =	vmin.f32 v22, v30;
	v22 =	vsel vm1, $0x40, v1;
	v23 =	vor.u32 v25, v23  }
0x4b: {  	_ =	sdelay $0x3  }
0x4c: {  	v15 =	vld.idx.msk [tilespmem:v15+s1+$0x0], $0xffff  }
0x4d: {  	v21 =	vmin.f32 v24, v21;
	v17 =	vld.idx.msk [tilespmem:v17+s1+$0x0], $0xffff  }
0x4e: {  	s26 =	sadd.s32 $0x10, s26;
	v24 =	vsel vm0, $0x80, v1;
	v22 =	vor.u32 v22, v23;
	v14 =	vld.idx.msk [tilespmem:v14+s1+$0x0], $0xffff;
	v11 =	vand.u32 $0x7FFFFFFF, v11  }
0x4f: {  	v13 =	vld.idx.msk [tilespmem:v13+s1+$0x0], $0xffff;
	v23 =	vmov s26;
	v18 =	vmin.f32 v21, v18;
	v22 =	vor.u32 v24, v22  }
0x50: {  	v12 =	vld.idx.msk [tilespmem:v12+s1+$0x0], $0xffff;
	v21 =	vshll.u32 v23, $0x8;
	v11 =	vmin.f32 v18, v11;
	vm13 =	vge.f32 v16, $0.0e+00  }
0x51: {  	v18 =	vor.u32 v5, v21;
	v21 =	vand.u32 $0x7FFFFFFF, v19;
	vm1 =	vge.f32 v19, $0.0e+00  }
0x52: {  	v18 =	vand.u32 $0xFF00, v18;
	v24 =	vand.u32 $0x7FFFFFFF, v20;
	vm3 =	vge.f32 v20, $0.0e+00  }
0x53: {  	v23 =	vand.u32 $0x7FFFFFFF, v15;
	v19 =	vand.u32 $0x7FFFFFFF, v17;
	vm2 =	vge.f32 v15, $0.0e+00  }
0x54: {  	vm4 =	vge.f32 v13, $0.0e+00;
	v15 =	vand.u32 $0x7FFFFFFF, v14;
	vm5 =	vge.f32 v17, $0.0e+00  }
0x55: {  	v13 =	vand.u32 $0x7FFFFFFF, v13;
	vm14 =	vge.f32 v12, $0.0e+00;
	v17 =	vsel vm4, $0x1, v1  }
0x56: {  	vm15 =	vge.f32 v14, $0.0e+00;
	v20 =	vsel vm14, $0x2, v1;
	v14 =	vor.u32 v17, v18  }
0x57: {  	v12 =	vand.u32 $0x7FFFFFFF, v12;
	v17 =	vsel vm15, $0x4, v1;
	v14 =	vor.u32 v20, v14  }
0x58: {  	v12 =	vmin.f32 v13, v12;
	v13 =	vsel vm5, $0x8, v1;
	v14 =	vor.u32 v17, v14  }
0x59: {  	v12 =	vmin.f32 v12, v15;
	v15 =	vsel vm2, $0x10, v1;
	v13 =	vor.u32 v13, v14  }
0x5a: {  	v12 =	vmin.f32 v12, v19;
	v14 =	vsel vm3, $0x20, v1;
	v13 =	vor.u32 v15, v13  }
0x5b: {  	s24 =	sadd.s32 $0x10, s24;
	v12 =	vmin.f32 v12, v23;
	v15 =	vsel vm1, $0x40, v1;
	v13 =	vor.u32 v14, v13  }
0x5c: {  	s25 =	sadd.s32 $0x10, s25;
	[tilespmem:s24+$0x0] =	vst v22;
	v12 =	vmin.f32 v12, v24;
	v14 =	vsel vm13, $0x80, v1;
	v13 =	vor.u32 v15, v13  }
0x5d: {  	s28 =	sshll.u32 s23, $0x4;
	s24 =	sadd.s32 $0x10, s24;
	[tilespmem:s25+$0x0] =	vst v11;
	v11 =	vmin.f32 v12, v21;
	v12 =	vand.u32 $0x7FFFFFFF, v16;
	v13 =	vor.u32 v14, v13  }
0x5e: {  	s26 =	sadd.s32 $0x10, s25;
	v11 =	vmin.f32 v11, v12;
	[tilespmem:s24+$0x0] =	vst v13;
	s24 =	sadd.s32 s7, s28  }
0x5f: {  	s30 =	simm.s32 $0x0;
	[tilespmem:s26+$0x0] =	vst v11;
	s29 =	sshll.u32 s24, $0x8  }
0x60: {  	[tilespmem:s14], [sflag:$0x3] =	stream.indirect.gather [hbm4b:s4+s12], $0x10, s13, s12, $0xb8;
	[tilespmem:$0x1A000] =	vst v63  }
0x61: {  	v11 =	vmov s30;
	s25 =	sand.u32 $0x1FFFF800, s29  }
0x62: {  	v11 =	vshll.u32 v11, $0x4;
	s25 =	sadd.s32 s3, s25  }
0x63: {  	v19 =	vor.u32 v10, v11;
	[tilespmem:s15], [sflag:$0x2] =	stream.linear.gather [hbm4b:s25+s30], $0x4000, $0x38;
	[tilespmem:$0x1A000] =	vst v63  }
0x64: {  	_ =	swait.ge [sflag:s16], $0x8000  }
0x65: {  	[sflag:s16] =	ssyncset.done $0x0  }
0x66: {  	s31 =	simm.s32 $0x9000;
	[sflag:s16] =	ssyncadd.s32 $0xFFFF8000  }
0x67: {  	v15 =	vld [tilespmem:s31+$0x0]  }
0x68: {  	v11 =	vld.idx.msk [tilespmem:v19+s14+$0x0], $0xffff;
	_ =	sdelay $0x2  }
0x69: {  	v12 =	vor.u32 $0x1, v19;
	_ =	sdelay $0x1  }
0x6a: {  	v11 =	vmul.f32 v11, v15  }
0x6b: {  	s26 =	simm.s32 $0x10  }
0x6c: {  	v13 =	vmov s26;
	[tilespmem:v19+s14+$0x0] =	vst.idx.msk $0xffff, v11  }
0x6d: {  	v13 =	vshll.u32 v13, $0x4;
	v11 =	vld.idx.msk [tilespmem:v12+s14+$0x0], $0xffff  }
0x6e: {  	v13 =	vor.u32 v10, v13;
	_ =	sdelay $0x1  }
0x6f: {  	v14 =	vor.u32 $0x2, v19;
	_ =	sdelay $0x1  }
0x70: {  	v16 =	vmul.f32 v11, v15  }
0x71: {  	s28 =	simm.s32 $0x9010;
	v17 =	vld.idx.msk [tilespmem:v13+s14+$0x0], $0xffff  }
0x72: {  	v11 =	vld [tilespmem:s28+$0x0];
	[tilespmem:v12+s14+$0x0] =	vst.idx.msk $0xffff, v16  }
0x73: {  	v12 =	vld.idx.msk [tilespmem:v14+s14+$0x0], $0xffff;
	_ =	sdelay $0x1  }
0x74: {  	v18 =	vor.u32 $0x1, v13  }
0x75: {  	v20 =	vor.u32 $0x3, v19  }
0x76: {  	v16 =	vmul.f32 v17, v11  }
0x77: {  	v12 =	vmul.f32 v12, v15  }
0x78: {  	s29 =	simm.s32 $0x20;
	[tilespmem:v13+s14+$0x0] =	vst.idx.msk $0xffff, v16  }
0x79: {  	v17 =	vld.idx.msk [tilespmem:v18+s14+$0x0], $0xffff;
	[tilespmem:v14+s14+$0x0] =	vst.idx.msk $0xffff, v12;
	v12 =	vmov s29  }
0x7a: {  	v14 =	vld.idx.msk [tilespmem:v20+s14+$0x0], $0xffff;
	v12 =	vshll.u32 v12, $0x4  }
0x7b: {  	v16 =	vor.u32 v10, v12  }
0x7c: {  	v21 =	vor.u32 $0x2, v13  }
0x7d: {  	v22 =	vor.u32 $0x4, v19  }
0x7e: {  	s30 =	simm.s32 $0x9020;
	v17 =	vmul.f32 v17, v11  }
0x7f: {  	v12 =	vld [tilespmem:s30+$0x0];
	v14 =	vmul.f32 v14, v15  }
0x80: {  	[tilespmem:v18+s14+$0x0] =	vst.idx.msk $0xffff, v17;
	v23 =	vld.idx.msk [tilespmem:v16+s14+$0x0], $0xffff  }
0x81: {  	v17 =	vld.idx.msk [tilespmem:v21+s14+$0x0], $0xffff;
	[tilespmem:v20+s14+$0x0] =	vst.idx.msk $0xffff, v14  }
0x82: {  	v14 =	vld.idx.msk [tilespmem:v22+s14+$0x0], $0xffff  }
0x83: {  	v18 =	vor.u32 $0x1, v16  }
0x84: {  	v20 =	vor.u32 $0x3, v13  }
0x85: {  	v24 =	vor.u32 $0x5, v19;
	v23 =	vmul.f32 v23, v12  }
0x86: {  	v17 =	vmul.f32 v17, v11  }
0x87: {  	s31 =	simm.s32 $0x30;
	[tilespmem:v16+s14+$0x0] =	vst.idx.msk $0xffff, v23;
	v14 =	vmul.f32 v14, v15  }
0x88: {  	[tilespmem:v21+s14+$0x0] =	vst.idx.msk $0xffff, v17;
	v17 =	vmov s31;
	v23 =	vld.idx.msk [tilespmem:v18+s14+$0x0], $0xffff  }
0x89: {  	v21 =	vld.idx.msk [tilespmem:v20+s14+$0x0], $0xffff;
	[tilespmem:v22+s14+$0x0] =	vst.idx.msk $0xffff, v14;
	v14 =	vshll.u32 v17, $0x4  }
0x8a: {  	v22 =	vld.idx.msk [tilespmem:v24+s14+$0x0], $0xffff;
	v17 =	vor.u32 v10, v14  }
0x8b: {  	v25 =	vor.u32 $0x2, v16  }
0x8c: {  	v26 =	vor.u32 $0x4, v13  }
0x8d: {  	s26 =	simm.s32 $0x9030;
	v27 =	vor.u32 $0x6, v19;
	v23 =	vmul.f32 v23, v12  }
0x8e: {  	v14 =	vld [tilespmem:s26+$0x0];
	v21 =	vmul.f32 v21, v11  }
0x8f: {  	v28 =	vld.idx.msk [tilespmem:v17+s14+$0x0], $0xffff;
	[tilespmem:v18+s14+$0x0] =	vst.idx.msk $0xffff, v23;
	v18 =	vmul.f32 v22, v15  }
0x90: {  	[tilespmem:v20+s14+$0x0] =	vst.idx.msk $0xffff, v21;
	v22 =	vld.idx.msk [tilespmem:v25+s14+$0x0], $0xffff  }
0x91: {  	v20 =	vld.idx.msk [tilespmem:v26+s14+$0x0], $0xffff;
	[tilespmem:v24+s14+$0x0] =	vst.idx.msk $0xffff, v18  }
0x92: {  	v21 =	vor.u32 $0x1, v17;
	v18 =	vld.idx.msk [tilespmem:v27+s14+$0x0], $0xffff  }
0x93: {  	v23 =	vor.u32 $0x3, v16  }
0x94: {  	v24 =	vmul.f32 v28, v14;
	v28 =	vor.u32 $0x5, v13  }
0x95: {  	v29 =	vor.u32 $0x7, v19;
	v22 =	vmul.f32 v22, v12  }
0x96: {  	s28 =	simm.s32 $0x40;
	v20 =	vmul.f32 v20, v11;
	[tilespmem:v17+s14+$0x0] =	vst.idx.msk $0xffff, v24  }
0x97: {  	v24 =	vld.idx.msk [tilespmem:v21+s14+$0x0], $0xffff;
	[tilespmem:v25+s14+$0x0] =	vst.idx.msk $0xffff, v22;
	v18 =	vmul.f32 v18, v15;
	v22 =	vmov s28  }
0x98: {  	[tilespmem:v26+s14+$0x0] =	vst.idx.msk $0xffff, v20;
	v25 =	vld.idx.msk [tilespmem:v23+s14+$0x0], $0xffff;
	v20 =	vshll.u32 v22, $0x4  }
0x99: {  	v22 =	vld.idx.msk [tilespmem:v28+s14+$0x0], $0xffff;
	[tilespmem:v27+s14+$0x0] =	vst.idx.msk $0xffff, v18;
	v20 =	vor.u32 v10, v20  }
0x9a: {  	v27 =	vor.u32 $0x2, v17;
	v26 =	vld.idx.msk [tilespmem:v29+s14+$0x0], $0xffff  }
0x9b: {  	v30 =	vor.u32 $0x4, v16  }
0x9c: {  	v31 =	vor.u32 $0x6, v13;
	s29 =	simm.s32 $0x9040;
	v24 =	vmul.f32 v24, v14  }
0x9d: {  	v32 =	vor.u32 $0x8, v19;
	v18 =	vld [tilespmem:s29+$0x0];
	v25 =	vmul.f32 v25, v12  }
0x9e: {  	v33 =	vld.idx.msk [tilespmem:v20+s14+$0x0], $0xffff;
	[tilespmem:v21+s14+$0x0] =	vst.idx.msk $0xffff, v24;
	v21 =	vmul.f32 v22, v11  }
0x9f: {  	v22 =	vld.idx.msk [tilespmem:v27+s14+$0x0], $0xffff;
	[tilespmem:v23+s14+$0x0] =	vst.idx.msk $0xffff, v25;
	v23 =	vmul.f32 v26, v15  }
0xa0: {  	v24 =	vld.idx.msk [tilespmem:v30+s14+$0x0], $0xffff;
	[tilespmem:v28+s14+$0x0] =	vst.idx.msk $0xffff, v21  }
0xa1: {  	v21 =	vld.idx.msk [tilespmem:v31+s14+$0x0], $0xffff;
	[tilespmem:v29+s14+$0x0] =	vst.idx.msk $0xffff, v23;
	v23 =	vor.u32 $0x1, v20  }
0xa2: {  	v26 =	vor.u32 $0x3, v17;
	v25 =	vld.idx.msk [tilespmem:v32+s14+$0x0], $0xffff  }
0xa3: {  	v29 =	vor.u32 $0x5, v16;
	v28 =	vmul.f32 v33, v18  }
0xa4: {  	v50 =	vor.u32 $0x7, v13;
	v22 =	vmul.f32 v22, v14  }
0xa5: {  	s30 =	simm.s32 $0x50;
	[tilespmem:v20+s14+$0x0] =	vst.idx.msk $0xffff, v28;
	v24 =	vmul.f32 v24, v12;
	v28 =	vor.u32 $0x9, v19  }
0xa6: {  	v34 =	vld.idx.msk [tilespmem:v23+s14+$0x0], $0xffff;
	[tilespmem:v27+s14+$0x0] =	vst.idx.msk $0xffff, v22;
	v21 =	vmul.f32 v21, v11;
	v22 =	vmov s30  }
0xa7: {  	v27 =	vld.idx.msk [tilespmem:v26+s14+$0x0], $0xffff;
	[tilespmem:v30+s14+$0x0] =	vst.idx.msk $0xffff, v24;
	v24 =	vmul.f32 v25, v15;
	v22 =	vshll.u32 v22, $0x4  }
0xa8: {  	v25 =	vld.idx.msk [tilespmem:v29+s14+$0x0], $0xffff;
	[tilespmem:v31+s14+$0x0] =	vst.idx.msk $0xffff, v21;
	v22 =	vor.u32 v10, v22  }
0xa9: {  	v30 =	vld.idx.msk [tilespmem:v50+s14+$0x0], $0xffff;
	[tilespmem:v32+s14+$0x0] =	vst.idx.msk $0xffff, v24;
	v24 =	vor.u32 $0x2, v20  }
0xaa: {  	v51 =	vor.u32 $0x4, v17;
	v31 =	vld.idx.msk [tilespmem:v28+s14+$0x0], $0xffff  }
0xab: {  	v35 =	vor.u32 $0x6, v16;
	s31 =	simm.s32 $0x9050;
	v34 =	vmul.f32 v34, v18  }
0xac: {  	v36 =	vor.u32 $0x8, v13;
	v21 =	vld [tilespmem:s31+$0x0];
	v27 =	vmul.f32 v27, v14  }
0xad: {  	v37 =	vld.idx.msk [tilespmem:v22+s14+$0x0], $0xffff;
	[tilespmem:v23+s14+$0x0] =	vst.idx.msk $0xffff, v34;
	v23 =	vmul.f32 v25, v12;
	v25 =	vor.u32 $0xA, v19  }
0xae: {  	v34 =	vld.idx.msk [tilespmem:v24+s14+$0x0], $0xffff;
	[tilespmem:v26+s14+$0x0] =	vst.idx.msk $0xffff, v27;
	v26 =	vmul.f32 v30, v11  }
0xaf: {  	v27 =	vld.idx.msk [tilespmem:v51+s14+$0x0], $0xffff;
	[tilespmem:v29+s14+$0x0] =	vst.idx.msk $0xffff, v23;
	v23 =	vmul.f32 v31, v15  }
0xb0: {  	v29 =	vld.idx.msk [tilespmem:v35+s14+$0x0], $0xffff;
	[tilespmem:v50+s14+$0x0] =	vst.idx.msk $0xffff, v26;
	v26 =	vor.u32 $0x1, v22  }
0xb1: {  	v30 =	vld.idx.msk [tilespmem:v36+s14+$0x0], $0xffff;
	[tilespmem:v28+s14+$0x0] =	vst.idx.msk $0xffff, v23;
	v28 =	vor.u32 $0x3, v20  }
0xb2: {  	v52 =	vor.u32 $0x5, v17;
	v23 =	vld.idx.msk [tilespmem:v25+s14+$0x0], $0xffff;
	v31 =	vmul.f32 v37, v21  }
0xb3: {  	v53 =	vor.u32 $0x7, v16;
	v34 =	vmul.f32 v34, v18  }
0xb4: {  	s26 =	simm.s32 $0x60;
	[tilespmem:v22+s14+$0x0] =	vst.idx.msk $0xffff, v31;
	v27 =	vmul.f32 v27, v14;
	v31 =	vor.u32 $0x9, v13  }
0xb5: {  	v54 =	vmov s26;
	v38 =	vld.idx.msk [tilespmem:v26+s14+$0x0], $0xffff;
	[tilespmem:v24+s14+$0x0] =	vst.idx.msk $0xffff, v34;
	v24 =	vmul.f32 v29, v12;
	v29 =	vor.u32 $0xB, v19  }
0xb6: {  	v39 =	vld.idx.msk [tilespmem:v28+s14+$0x0], $0xffff;
	[tilespmem:v51+s14+$0x0] =	vst.idx.msk $0xffff, v27;
	v27 =	vmul.f32 v30, v11;
	v30 =	vshll.u32 v54, $0x4  }
0xb7: {  	v32 =	vld.idx.msk [tilespmem:v52+s14+$0x0], $0xffff;
	[tilespmem:v35+s14+$0x0] =	vst.idx.msk $0xffff, v24;
	v23 =	vmul.f32 v23, v15;
	v24 =	vor.u32 v10, v30  }
0xb8: {  	v30 =	vld.idx.msk [tilespmem:v53+s14+$0x0], $0xffff;
	[tilespmem:v36+s14+$0x0] =	vst.idx.msk $0xffff, v27;
	v27 =	vor.u32 $0x2, v22  }
0xb9: {  	v56 =	vor.u32 $0x4, v20;
	v55 =	vld.idx.msk [tilespmem:v31+s14+$0x0], $0xffff;
	[tilespmem:v25+s14+$0x0] =	vst.idx.msk $0xffff, v23  }
0xba: {  	v58 =	vor.u32 $0x6, v17;
	s28 =	simm.s32 $0x9060;
	v25 =	vld.idx.msk [tilespmem:v29+s14+$0x0], $0xffff;
	v57 =	vmul.f32 v38, v21  }
0xbb: {  	v40 =	vor.u32 $0x8, v16;
	v23 =	vld [tilespmem:s28+$0x0];
	v39 =	vmul.f32 v39, v18  }
0xbc: {  	v59 =	vor.u32 $0xA, v13;
	v41 =	vld.idx.msk [tilespmem:v24+s14+$0x0], $0xffff;
	[tilespmem:v26+s14+$0x0] =	vst.idx.msk $0xffff, v57;
	v26 =	vmul.f32 v32, v14  }
0xbd: {  	v36 =	vld.idx.msk [tilespmem:v27+s14+$0x0], $0xffff;
	[tilespmem:v28+s14+$0x0] =	vst.idx.msk $0xffff, v39;
	v28 =	vmul.f32 v30, v12;
	v30 =	vor.u32 $0xC, v19  }
0xbe: {  	v39 =	vld.idx.msk [tilespmem:v56+s14+$0x0], $0xffff;
	[tilespmem:v52+s14+$0x0] =	vst.idx.msk $0xffff, v26;
	v26 =	vmul.f32 v55, v11  }
0xbf: {  	v33 =	vld.idx.msk [tilespmem:v58+s14+$0x0], $0xffff;
	[tilespmem:v53+s14+$0x0] =	vst.idx.msk $0xffff, v28;
	v25 =	vmul.f32 v25, v15;
	v28 =	vor.u32 $0x1, v24  }
0xc0: {  	v61 =	vor.u32 $0x3, v22;
	v60 =	vld.idx.msk [tilespmem:v40+s14+$0x0], $0xffff;
	[tilespmem:v31+s14+$0x0] =	vst.idx.msk $0xffff, v26  }
0xc1: {  	v62 =	vor.u32 $0x5, v20;
	v26 =	vld.idx.msk [tilespmem:v59+s14+$0x0], $0xffff;
	[tilespmem:v29+s14+$0x0] =	vst.idx.msk $0xffff, v25;
	v29 =	vmul.f32 v41, v23  }
0xc2: {  	v42 =	vor.u32 $0x7, v17;
	s29 =	simm.s32 $0x9070;
	v31 =	vld.idx.msk [tilespmem:v30+s14+$0x0], $0xffff;
	v36 =	vmul.f32 v36, v21  }
0xc3: {  	v44 =	vor.u32 $0x9, v16;
	s30 =	simm.s32 $0x70;
	v25 =	vld [tilespmem:s29+$0x0];
	[tilespmem:v24+s14+$0x0] =	vst.idx.msk $0xffff, v29;
	v29 =	vmul.f32 v39, v18  }
0xc4: {  	v52 =	vor.u32 $0xB, v13;
	v53 =	vmov s30;
	v63 =	vld.idx.msk [tilespmem:v28+s14+$0x0], $0xffff;
	[tilespmem:v27+s14+$0x0] =	vst.idx.msk $0xffff, v36;
	v27 =	vmul.f32 v33, v14  }
0xc5: {  	v54 =	vor.u32 $0xD, v19;
	v33 =	vshll.u32 v53, $0x4;
	v43 =	vld.idx.msk [tilespmem:v61+s14+$0x0], $0xffff;
	[tilespmem:v56+s14+$0x0] =	vst.idx.msk $0xffff, v29;
	v29 =	vmul.f32 v60, v12  }
0xc6: {  	v45 =	vld.idx.msk [tilespmem:v62+s14+$0x0], $0xffff;
	[tilespmem:v58+s14+$0x0] =	vst.idx.msk $0xffff, v27;
	v27 =	vmul.f32 v26, v11;
	v26 =	vor.u32 v10, v33  }
0xc7: {  	v46 =	vor.u32 $0x2, v24;
	v55 =	vld.idx.msk [tilespmem:v42+s14+$0x0], $0xffff;
	[tilespmem:v40+s14+$0x0] =	vst.idx.msk $0xffff, v29;
	v29 =	vmul.f32 v31, v15  }
0xc8: {  	v48 =	vor.u32 $0x4, v22;
	v56 =	vld.idx.msk [tilespmem:v44+s14+$0x0], $0xffff;
	[tilespmem:v59+s14+$0x0] =	vst.idx.msk $0xffff, v27  }
0xc9: {  	v39 =	vor.u32 $0x6, v20;
	v27 =	vld.idx.msk [tilespmem:v52+s14+$0x0], $0xffff;
	[tilespmem:v30+s14+$0x0] =	vst.idx.msk $0xffff, v29;
	v29 =	vmul.f32 v63, v23  }
0xca: {  	v34 =	vor.u32 $0x8, v17;
	v30 =	vld.idx.msk [tilespmem:v54+s14+$0x0], $0xffff;
	v57 =	vmul.f32 v43, v21  }
0xcb: {  	v31 =	vor.u32 $0xA, v16;
	v58 =	vld.idx.msk [tilespmem:v26+s14+$0x0], $0xffff;
	[tilespmem:v28+s14+$0x0] =	vst.idx.msk $0xffff, v29;
	v28 =	vmul.f32 v45, v18  }
0xcc: {  	v29 =	vld.idx.msk [tilespmem:v46+s14+$0x0], $0xffff;
	[tilespmem:v61+s14+$0x0] =	vst.idx.msk $0xffff, v57;
	v59 =	vmul.f32 v55, v14  }
0xcd: {  	v33 =	vor.u32 $0xC, v13;
	v60 =	vld.idx.msk [tilespmem:v48+s14+$0x0], $0xffff;
	[tilespmem:v62+s14+$0x0] =	vst.idx.msk $0xffff, v28;
	v61 =	vmul.f32 v56, v12  }
0xce: {  	v28 =	vor.u32 $0xE, v19;
	v49 =	vld.idx.msk [tilespmem:v39+s14+$0x0], $0xffff;
	[tilespmem:v42+s14+$0x0] =	vst.idx.msk $0xffff, v59  }
0xcf: {  	v43 =	vor.u32 $0x1, v26;
	v27 =	vmul.f32 v27, v11;
	v50 =	vld.idx.msk [tilespmem:v34+s14+$0x0], $0xffff;
	[tilespmem:v44+s14+$0x0] =	vst.idx.msk $0xffff, v61  }
0xd0: {  	s25 =	simm.s32 $0x9080;
	v42 =	vor.u32 $0x3, v24;
	v30 =	vmul.f32 v30, v15;
	v37 =	vld.idx.msk [tilespmem:v31+s14+$0x0], $0xffff  }
0xd1: {  	v41 =	vor.u32 $0x5, v22;
	[tilespmem:v52+s14+$0x0] =	vst.idx.msk $0xffff, v27;
	v62 =	vmul.f32 v58, v25;
	v27 =	vld [tilespmem:s25+$0x0]  }
0xd2: {  	v40 =	vor.u32 $0x7, v20;
	v38 =	vld.idx.msk [tilespmem:v33+s14+$0x0], $0xffff;
	[tilespmem:v54+s14+$0x0] =	vst.idx.msk $0xffff, v30;
	v29 =	vmul.f32 v29, v23  }
0xd3: {  	v36 =	vor.u32 $0x9, v17;
	v35 =	vld.idx.msk [tilespmem:v28+s14+$0x0], $0xffff;
	[tilespmem:v26+s14+$0x0] =	vst.idx.msk $0xffff, v62;
	v63 =	vmul.f32 v60, v21  }
0xd4: {  	s31 =	simm.s32 $0x80;
	v32 =	vor.u32 $0xB, v16;
	v47 =	vld.idx.msk [tilespmem:v43+s14+$0x0], $0xffff;
	[tilespmem:v46+s14+$0x0] =	vst.idx.msk $0xffff, v29;
	v45 =	vmul.f32 v49, v18  }
0xd5: {  	s26 =	simm.s32 $0x90;
	v30 =	vmov s31;
	v29 =	vor.u32 $0xD, v13;
	v46 =	vld.idx.msk [tilespmem:v42+s14+$0x0], $0xffff;
	[tilespmem:v48+s14+$0x0] =	vst.idx.msk $0xffff, v63;
	v44 =	vmul.f32 v50, v14  }
.LBB2_5:
0xd6: {  	p0 =	sne.s32 s26, $0x7F0;
	v30 =	vshll.u32 v30, $0x4;
	v48 =	vld.idx.msk [tilespmem:v41+s14+$0x0], $0xffff;
	[tilespmem:v39+s14+$0x0] =	vst.idx.msk $0xffff, v45;
	v37 =	vmul.f32 v37, v12;
	v45 =	vor.u32 $0xF, v19  }
0xd7: {  	v30 =	vor.u32 v10, v30;
	v49 =	vld.idx.msk [tilespmem:v40+s14+$0x0], $0xffff;
	[tilespmem:v34+s14+$0x0] =	vst.idx.msk $0xffff, v44;
	v34 =	vmul.f32 v38, v11  }
0xd8: {  	v19 =	vmov v13;
	v44 =	vor.u32 $0x2, v26;
	v38 =	vld.idx.msk [tilespmem:v36+s14+$0x0], $0xffff;
	[tilespmem:v31+s14+$0x0] =	vst.idx.msk $0xffff, v37;
	v31 =	vmul.f32 v35, v15  }
0xd9: {  	v50 =	vor.u32 $0x4, v24;
	v13 =	vmovc v16;
	v16 =	vmov v17;
	v17 =	vmov v20;
	v35 =	vld.idx.msk [tilespmem:v32+s14+$0x0], $0xffff;
	[tilespmem:v33+s14+$0x0] =	vst.idx.msk $0xffff, v34  }
0xda: {  	v39 =	vor.u32 $0x6, v22;
	v20 =	vmov v22;
	v33 =	vmul.f32 v47, v25;
	v37 =	vld.idx.msk [tilespmem:v29+s14+$0x0], $0xffff;
	[tilespmem:v28+s14+$0x0] =	vst.idx.msk $0xffff, v31  }
0xdb: {  	v22 =	vmovc v24;
	v24 =	vmovc v26;
	v26 =	vmov v30;
	v34 =	vor.u32 $0x8, v17;
	v28 =	vmul.f32 v46, v23;
	v46 =	vld.idx.msk [tilespmem:v45+s14+$0x0], $0xffff  }
0xdc: {  	v31 =	vor.u32 $0xA, v16;
	v30 =	vld.idx.msk [tilespmem:v30+s14+$0x0], $0xffff;
	[tilespmem:v43+s14+$0x0] =	vst.idx.msk $0xffff, v33;
	v43 =	vmul.f32 v48, v21;
	v48 =	vmov v25  }
0xdd: {  	v33 =	vor.u32 $0xC, v13;
	v25 =	vmov v27;
	v47 =	vld.idx.msk [tilespmem:v44+s14+$0x0], $0xffff;
	[tilespmem:v42+s14+$0x0] =	vst.idx.msk $0xffff, v28;
	v42 =	vmul.f32 v49, v18  }
0xde: {  	v27 =	vmul.f32 v38, v14;
	v28 =	vor.u32 $0xE, v19;
	v49 =	vld.idx.msk [tilespmem:v50+s14+$0x0], $0xffff;
	[tilespmem:v41+s14+$0x0] =	vst.idx.msk $0xffff, v43  }
0xdf: {  	v35 =	vmul.f32 v35, v12;
	v51 =	vld.idx.msk [tilespmem:v39+s14+$0x0], $0xffff;
	[tilespmem:v40+s14+$0x0] =	vst.idx.msk $0xffff, v42  }
0xe0: {  	v43 =	vor.u32 $0x1, v26;
	v52 =	vld.idx.msk [tilespmem:v34+s14+$0x0], $0xffff;
	[tilespmem:v36+s14+$0x0] =	vst.idx.msk $0xffff, v27;
	v27 =	vmul.f32 v37, v11  }
0xe1: {  	v42 =	vor.u32 $0x3, v24;
	v37 =	vld.idx.msk [tilespmem:v31+s14+$0x0], $0xffff;
	[tilespmem:v32+s14+$0x0] =	vst.idx.msk $0xffff, v35;
	v32 =	vmul.f32 v46, v15;
	v15 =	vmov v11  }
.Ltmp1:
0xe2: {  	v41 =	vor.u32 $0x5, v22;
	v30 =	vmul.f32 v30, v25;
	v11 =	vmov v12;
	v38 =	vld.idx.msk [tilespmem:v33+s14+$0x0], $0xffff;
	[tilespmem:v29+s14+$0x0] =	vst.idx.msk $0xffff, v27;
	(pc) =	sbr.rel @p0 .LBB2_5-.Ltmp1, $4  }
0xe3: {  	s25 =	sadd.s32 $0x10, s25;
	v40 =	vor.u32 $0x7, v20;
	v12 =	vmov v14;
	v29 =	vmul.f32 v47, v48;
	v35 =	vld.idx.msk [tilespmem:v28+s14+$0x0], $0xffff;
	[tilespmem:v45+s14+$0x0] =	vst.idx.msk $0xffff, v32  }
0xe4: {  	v36 =	vor.u32 $0x9, v17;
	v14 =	vmovc v18;
	v18 =	vmov v21;
	v49 =	vmul.f32 v49, v23;
	v27 =	vld [tilespmem:s25+$0x0];
	[tilespmem:v26+s14+$0x0] =	vst.idx.msk $0xffff, v30  }
0xe5: {  	v21 =	vmov v23;
	v32 =	vor.u32 $0xB, v16;
	v45 =	vmul.f32 v51, v18;
	v47 =	vld.idx.msk [tilespmem:v43+s14+$0x0], $0xffff;
	[tilespmem:v44+s14+$0x0] =	vst.idx.msk $0xffff, v29  }
0xe6: {  	v23 =	vmovc v48;
	v30 =	vmov s26;
	s26 =	sadd.s32 $0x10, s26;
	v44 =	vmul.f32 v52, v14;
	v29 =	vor.u32 $0xD, v13;
	v46 =	vld.idx.msk [tilespmem:v42+s14+$0x0], $0xffff;
	[tilespmem:v50+s14+$0x0] =	vst.idx.msk $0xffff, v49  }
0xe7: {  	v30 =	vshll.u32 v30, $0x4  }
0xe8: {  	v30 =	vor.u32 v10, v30;
	_ =	sdelay $0x4  }
0xe9: {  	v48 =	vld.idx.msk [tilespmem:v30+s14+$0x0], $0xffff;
	_ =	sdelay $0x2  }
0xea: {  	v49 =	vor.u32 $0x1, v30;
	_ =	sdelay $0x1  }
0xeb: {  	v48 =	vmul.f32 v48, v27;
	_ =	sdelay $0x1  }
0xec: {  	[tilespmem:v30+s14+$0x0] =	vst.idx.msk $0xffff, v48  }
0xed: {  	v48 =	vld.idx.msk [tilespmem:v49+s14+$0x0], $0xffff;
	_ =	sdelay $0x1  }
0xee: {  	v50 =	vor.u32 $0x2, v26  }
0xef: {  	v51 =	vor.u32 $0x2, v30  }
0xf0: {  	v47 =	vmul.f32 v47, v25  }
0xf1: {  	v48 =	vmul.f32 v48, v27  }
0xf2: {  	[tilespmem:v43+s14+$0x0] =	vst.idx.msk $0xffff, v47  }
0xf3: {  	v43 =	vld.idx.msk [tilespmem:v50+s14+$0x0], $0xffff;
	[tilespmem:v49+s14+$0x0] =	vst.idx.msk $0xffff, v48  }
0xf4: {  	v59 =	vld.idx.msk [tilespmem:v51+s14+$0x0], $0xffff;
	_ =	sdelay $0x1  }
0xf5: {  	v60 =	vor.u32 $0x3, v26  }
0xf6: {  	v61 =	vor.u32 $0x3, v30  }
0xf7: {  	v43 =	vmul.f32 v43, v25  }
0xf8: {  	v47 =	vmul.f32 v59, v27  }
0xf9: {  	[tilespmem:v50+s14+$0x0] =	vst.idx.msk $0xffff, v43  }
0xfa: {  	v43 =	vld.idx.msk [tilespmem:v60+s14+$0x0], $0xffff;
	[tilespmem:v51+s14+$0x0] =	vst.idx.msk $0xffff, v47  }
0xfb: {  	v47 =	vld.idx.msk [tilespmem:v61+s14+$0x0], $0xffff  }
0xfc: {  	v62 =	vor.u32 $0x4, v24  }
0xfd: {  	v63 =	vor.u32 $0x4, v26  }
0xfe: {  	v52 =	vor.u32 $0x4, v30;
	v46 =	vmul.f32 v46, v23  }
0xff: {  	v43 =	vmul.f32 v43, v25  }
0x100: {  	[tilespmem:v42+s14+$0x0] =	vst.idx.msk $0xffff, v46;
	v56 =	vmul.f32 v47, v27  }
0x101: {  	v46 =	vld.idx.msk [tilespmem:v62+s14+$0x0], $0xffff;
	[tilespmem:v60+s14+$0x0] =	vst.idx.msk $0xffff, v43  }
0x102: {  	v43 =	vld.idx.msk [tilespmem:v63+s14+$0x0], $0xffff;
	[tilespmem:v61+s14+$0x0] =	vst.idx.msk $0xffff, v56  }
0x103: {  	v42 =	vld.idx.msk [tilespmem:v52+s14+$0x0], $0xffff  }
0x104: {  	v47 =	vor.u32 $0x5, v24  }
0x105: {  	v57 =	vor.u32 $0x5, v26  }
0x106: {  	v58 =	vor.u32 $0x5, v30;
	v46 =	vmul.f32 v46, v23  }
0x107: {  	v43 =	vmul.f32 v43, v25  }
0x108: {  	v53 =	vld.idx.msk [tilespmem:v41+s14+$0x0], $0xffff;
	[tilespmem:v62+s14+$0x0] =	vst.idx.msk $0xffff, v46;
	v42 =	vmul.f32 v42, v27  }
0x109: {  	[tilespmem:v63+s14+$0x0] =	vst.idx.msk $0xffff, v43;
	v46 =	vld.idx.msk [tilespmem:v47+s14+$0x0], $0xffff  }
0x10a: {  	v43 =	vld.idx.msk [tilespmem:v57+s14+$0x0], $0xffff;
	[tilespmem:v52+s14+$0x0] =	vst.idx.msk $0xffff, v42  }
0x10b: {  	v42 =	vor.u32 $0x6, v22;
	v59 =	vld.idx.msk [tilespmem:v58+s14+$0x0], $0xffff  }
0x10c: {  	v60 =	vor.u32 $0x6, v24  }
0x10d: {  	v62 =	vor.u32 $0x6, v26;
	v61 =	vmul.f32 v53, v21  }
0x10e: {  	v54 =	vor.u32 $0x6, v30;
	v46 =	vmul.f32 v46, v23  }
0x10f: {  	v63 =	vmul.f32 v43, v25;
	[tilespmem:v41+s14+$0x0] =	vst.idx.msk $0xffff, v61  }
0x110: {  	[tilespmem:v47+s14+$0x0] =	vst.idx.msk $0xffff, v46;
	v52 =	vld.idx.msk [tilespmem:v42+s14+$0x0], $0xffff;
	v55 =	vmul.f32 v59, v27  }
0x111: {  	[tilespmem:v57+s14+$0x0] =	vst.idx.msk $0xffff, v63;
	v47 =	vld.idx.msk [tilespmem:v60+s14+$0x0], $0xffff  }
0x112: {  	v41 =	vld.idx.msk [tilespmem:v62+s14+$0x0], $0xffff;
	[tilespmem:v58+s14+$0x0] =	vst.idx.msk $0xffff, v55  }
0x113: {  	v46 =	vor.u32 $0x7, v22;
	v56 =	vld.idx.msk [tilespmem:v54+s14+$0x0], $0xffff  }
0x114: {  	v49 =	vor.u32 $0x7, v24  }
0x115: {  	v50 =	vor.u32 $0x7, v26;
	v43 =	vmul.f32 v52, v21  }
0x116: {  	[tilespmem:v39+s14+$0x0] =	vst.idx.msk $0xffff, v45;
	v45 =	vor.u32 $0x7, v30;
	v57 =	vmul.f32 v47, v23  }
0x117: {  	v41 =	vmul.f32 v41, v25;
	v58 =	vld.idx.msk [tilespmem:v40+s14+$0x0], $0xffff;
	[tilespmem:v42+s14+$0x0] =	vst.idx.msk $0xffff, v43  }
0x118: {  	[tilespmem:v60+s14+$0x0] =	vst.idx.msk $0xffff, v57;
	v42 =	vld.idx.msk [tilespmem:v46+s14+$0x0], $0xffff;
	v59 =	vmul.f32 v56, v27  }
0x119: {  	[tilespmem:v62+s14+$0x0] =	vst.idx.msk $0xffff, v41;
	v60 =	vld.idx.msk [tilespmem:v49+s14+$0x0], $0xffff  }
0x11a: {  	v41 =	vor.u32 $0x8, v20;
	v61 =	vld.idx.msk [tilespmem:v50+s14+$0x0], $0xffff;
	[tilespmem:v54+s14+$0x0] =	vst.idx.msk $0xffff, v59  }
0x11b: {  	v39 =	vor.u32 $0x8, v22;
	v62 =	vld.idx.msk [tilespmem:v45+s14+$0x0], $0xffff  }
0x11c: {  	v52 =	vor.u32 $0x8, v24;
	v47 =	vmul.f32 v58, v18  }
0x11d: {  	v53 =	vor.u32 $0x8, v26;
	v42 =	vmul.f32 v42, v21  }
0x11e: {  	v43 =	vor.u32 $0x8, v30;
	[tilespmem:v40+s14+$0x0] =	vst.idx.msk $0xffff, v47;
	v63 =	vmul.f32 v60, v23  }
0x11f: {  	v55 =	vmul.f32 v61, v25;
	v54 =	vld.idx.msk [tilespmem:v41+s14+$0x0], $0xffff;
	[tilespmem:v46+s14+$0x0] =	vst.idx.msk $0xffff, v42  }
0x120: {  	[tilespmem:v49+s14+$0x0] =	vst.idx.msk $0xffff, v63;
	v56 =	vld.idx.msk [tilespmem:v39+s14+$0x0], $0xffff;
	v57 =	vmul.f32 v62, v27  }
0x121: {  	[tilespmem:v50+s14+$0x0] =	vst.idx.msk $0xffff, v55;
	v58 =	vld.idx.msk [tilespmem:v52+s14+$0x0], $0xffff  }
0x122: {  	v59 =	vld.idx.msk [tilespmem:v53+s14+$0x0], $0xffff;
	v46 =	vor.u32 $0x9, v20;
	[tilespmem:v45+s14+$0x0] =	vst.idx.msk $0xffff, v57  }
0x123: {  	v40 =	vor.u32 $0x9, v22;
	v45 =	vld.idx.msk [tilespmem:v43+s14+$0x0], $0xffff  }
0x124: {  	v50 =	vor.u32 $0x9, v24;
	v42 =	vmul.f32 v54, v18  }
0x125: {  	[tilespmem:v34+s14+$0x0] =	vst.idx.msk $0xffff, v44;
	v44 =	vor.u32 $0x9, v26;
	v60 =	vmul.f32 v56, v21  }
0x126: {  	v61 =	vld.idx.msk [tilespmem:v36+s14+$0x0], $0xffff;
	[tilespmem:v41+s14+$0x0] =	vst.idx.msk $0xffff, v42;
	v42 =	vor.u32 $0x9, v30;
	v62 =	vmul.f32 v58, v23  }
0x127: {  	v54 =	vmul.f32 v59, v25;
	v63 =	vld.idx.msk [tilespmem:v46+s14+$0x0], $0xffff;
	[tilespmem:v39+s14+$0x0] =	vst.idx.msk $0xffff, v60  }
0x128: {  	[tilespmem:v52+s14+$0x0] =	vst.idx.msk $0xffff, v62;
	v39 =	vld.idx.msk [tilespmem:v40+s14+$0x0], $0xffff;
	v55 =	vmul.f32 v45, v27  }
0x129: {  	[tilespmem:v53+s14+$0x0] =	vst.idx.msk $0xffff, v54;
	v56 =	vld.idx.msk [tilespmem:v50+s14+$0x0], $0xffff;
	v45 =	vor.u32 $0xA, v17  }
0x12a: {  	v34 =	vor.u32 $0xA, v20;
	v57 =	vld.idx.msk [tilespmem:v44+s14+$0x0], $0xffff;
	[tilespmem:v43+s14+$0x0] =	vst.idx.msk $0xffff, v55  }
0x12b: {  	v58 =	vmul.f32 v61, v14;
	v43 =	vor.u32 $0xA, v22;
	v59 =	vld.idx.msk [tilespmem:v42+s14+$0x0], $0xffff  }
0x12c: {  	v52 =	vor.u32 $0xA, v24;
	v48 =	vmul.f32 v63, v18  }
0x12d: {  	[tilespmem:v36+s14+$0x0] =	vst.idx.msk $0xffff, v58;
	v60 =	vmul.f32 v39, v21;
	v39 =	vor.u32 $0xA, v26  }
0x12e: {  	[tilespmem:v46+s14+$0x0] =	vst.idx.msk $0xffff, v48;
	v61 =	vmul.f32 v56, v23;
	v48 =	vor.u32 $0xA, v30;
	v41 =	vld.idx.msk [tilespmem:v45+s14+$0x0], $0xffff  }
0x12f: {  	v63 =	vmul.f32 v57, v25;
	v62 =	vld.idx.msk [tilespmem:v34+s14+$0x0], $0xffff;
	[tilespmem:v40+s14+$0x0] =	vst.idx.msk $0xffff, v60  }
0x130: {  	[tilespmem:v50+s14+$0x0] =	vst.idx.msk $0xffff, v61;
	v49 =	vld.idx.msk [tilespmem:v43+s14+$0x0], $0xffff;
	v47 =	vmul.f32 v59, v27  }
0x131: {  	v37 =	vmul.f32 v37, v12;
	[tilespmem:v44+s14+$0x0] =	vst.idx.msk $0xffff, v63;
	v50 =	vld.idx.msk [tilespmem:v52+s14+$0x0], $0xffff;
	v40 =	vor.u32 $0xB, v17  }
0x132: {  	v38 =	vmul.f32 v38, v11;
	v51 =	vld.idx.msk [tilespmem:v39+s14+$0x0], $0xffff;
	[tilespmem:v42+s14+$0x0] =	vst.idx.msk $0xffff, v47;
	v42 =	vor.u32 $0xB, v20  }
0x133: {  	[tilespmem:v31+s14+$0x0] =	vst.idx.msk $0xffff, v37;
	v37 =	vor.u32 $0xB, v22;
	v53 =	vmul.f32 v41, v14;
	v54 =	vld.idx.msk [tilespmem:v48+s14+$0x0], $0xffff  }
0x134: {  	[tilespmem:v33+s14+$0x0] =	vst.idx.msk $0xffff, v38;
	v36 =	vor.u32 $0xB, v24;
	v55 =	vmul.f32 v62, v18  }
0x135: {  	v56 =	vld.idx.msk [tilespmem:v32+s14+$0x0], $0xffff;
	[tilespmem:v45+s14+$0x0] =	vst.idx.msk $0xffff, v53;
	v57 =	vmul.f32 v49, v21;
	v45 =	vor.u32 $0xB, v26  }
0x136: {  	v44 =	vor.u32 $0xB, v30;
	[tilespmem:v34+s14+$0x0] =	vst.idx.msk $0xffff, v55;
	v59 =	vmul.f32 v50, v23;
	v58 =	vld.idx.msk [tilespmem:v40+s14+$0x0], $0xffff  }
0x137: {  	[tilespmem:v43+s14+$0x0] =	vst.idx.msk $0xffff, v57;
	v61 =	vmul.f32 v51, v25;
	v60 =	vld.idx.msk [tilespmem:v42+s14+$0x0], $0xffff  }
0x138: {  	v46 =	vor.u32 $0xC, v16;
	[tilespmem:v52+s14+$0x0] =	vst.idx.msk $0xffff, v59;
	v62 =	vld.idx.msk [tilespmem:v37+s14+$0x0], $0xffff;
	v41 =	vmul.f32 v54, v27  }
0x139: {  	v35 =	vmul.f32 v35, v15;
	v47 =	vor.u32 $0xC, v17;
	v63 =	vld.idx.msk [tilespmem:v36+s14+$0x0], $0xffff;
	[tilespmem:v39+s14+$0x0] =	vst.idx.msk $0xffff, v61  }
0x13a: {  	v31 =	vmul.f32 v56, v12;
	v43 =	vor.u32 $0xC, v20;
	v52 =	vld.idx.msk [tilespmem:v45+s14+$0x0], $0xffff;
	[tilespmem:v48+s14+$0x0] =	vst.idx.msk $0xffff, v41  }
0x13b: {  	v33 =	vor.u32 $0xC, v22;
	[tilespmem:v28+s14+$0x0] =	vst.idx.msk $0xffff, v35;
	v53 =	vmul.f32 v58, v14;
	v54 =	vld.idx.msk [tilespmem:v44+s14+$0x0], $0xffff  }
0x13c: {  	[tilespmem:v32+s14+$0x0] =	vst.idx.msk $0xffff, v31;
	v32 =	vor.u32 $0xC, v24;
	v55 =	vld.idx.msk [tilespmem:v29+s14+$0x0], $0xffff;
	v56 =	vmul.f32 v60, v18  }
0x13d: {  	v34 =	vor.u32 $0xC, v26;
	v57 =	vld.idx.msk [tilespmem:v46+s14+$0x0], $0xffff;
	[tilespmem:v40+s14+$0x0] =	vst.idx.msk $0xffff, v53;
	v58 =	vmul.f32 v62, v21  }
0x13e: {  	v39 =	vor.u32 $0xC, v30;
	v59 =	vmul.f32 v63, v23;
	v40 =	vld.idx.msk [tilespmem:v47+s14+$0x0], $0xffff;
	[tilespmem:v42+s14+$0x0] =	vst.idx.msk $0xffff, v56  }
0x13f: {  	v19 =	vor.u32 $0xF, v19;
	[tilespmem:v37+s14+$0x0] =	vst.idx.msk $0xffff, v58;
	v60 =	vmul.f32 v52, v25;
	v42 =	vld.idx.msk [tilespmem:v43+s14+$0x0], $0xffff  }
0x140: {  	[tilespmem:v36+s14+$0x0] =	vst.idx.msk $0xffff, v59;
	v37 =	vor.u32 $0xD, v16;
	v61 =	vld.idx.msk [tilespmem:v33+s14+$0x0], $0xffff;
	v62 =	vmul.f32 v54, v27  }
0x141: {  	v63 =	vmul.f32 v55, v11;
	v36 =	vor.u32 $0xD, v17;
	v52 =	vld.idx.msk [tilespmem:v32+s14+$0x0], $0xffff;
	[tilespmem:v45+s14+$0x0] =	vst.idx.msk $0xffff, v60  }
0x142: {  	v38 =	vor.u32 $0xD, v20;
	v53 =	vmul.f32 v57, v12;
	v45 =	vld.idx.msk [tilespmem:v34+s14+$0x0], $0xffff;
	[tilespmem:v44+s14+$0x0] =	vst.idx.msk $0xffff, v62  }
0x143: {  	v31 =	vor.u32 $0xD, v22;
	[tilespmem:v29+s14+$0x0] =	vst.idx.msk $0xffff, v63;
	v54 =	vmul.f32 v40, v14;
	v55 =	vld.idx.msk [tilespmem:v39+s14+$0x0], $0xffff  }
0x144: {  	v56 =	vld.idx.msk [tilespmem:v19+s14+$0x0], $0xffff;
	[tilespmem:v46+s14+$0x0] =	vst.idx.msk $0xffff, v53;
	v57 =	vmul.f32 v42, v18;
	v42 =	vor.u32 $0xD, v24  }
0x145: {  	v41 =	vor.u32 $0xD, v26;
	v58 =	vld.idx.msk [tilespmem:v37+s14+$0x0], $0xffff;
	[tilespmem:v47+s14+$0x0] =	vst.idx.msk $0xffff, v54;
	v59 =	vmul.f32 v61, v21  }
0x146: {  	v61 =	vmul.f32 v52, v23;
	v60 =	vld.idx.msk [tilespmem:v36+s14+$0x0], $0xffff;
	[tilespmem:v43+s14+$0x0] =	vst.idx.msk $0xffff, v57;
	v43 =	vor.u32 $0xD, v30  }
0x147: {  	v47 =	vor.u32 $0xE, v13;
	[tilespmem:v33+s14+$0x0] =	vst.idx.msk $0xffff, v59;
	v63 =	vmul.f32 v45, v25;
	v62 =	vld.idx.msk [tilespmem:v38+s14+$0x0], $0xffff  }
0x148: {  	v33 =	vor.u32 $0xE, v16;
	[tilespmem:v32+s14+$0x0] =	vst.idx.msk $0xffff, v61;
	v49 =	vld.idx.msk [tilespmem:v31+s14+$0x0], $0xffff;
	v50 =	vmul.f32 v55, v27  }
0x149: {  	v15 =	vmul.f32 v56, v15;
	v32 =	vor.u32 $0xE, v17;
	[tilespmem:v34+s14+$0x0] =	vst.idx.msk $0xffff, v63;
	v51 =	vld.idx.msk [tilespmem:v42+s14+$0x0], $0xffff  }
0x14a: {  	v52 =	vmul.f32 v58, v12;
	v34 =	vor.u32 $0xE, v20;
	v53 =	vld.idx.msk [tilespmem:v41+s14+$0x0], $0xffff;
	[tilespmem:v39+s14+$0x0] =	vst.idx.msk $0xffff, v50  }
0x14b: {  	[tilespmem:v19+s14+$0x0] =	vst.idx.msk $0xffff, v15;
	v19 =	vor.u32 $0xE, v22;
	v15 =	vmul.f32 v60, v14;
	v28 =	vld.idx.msk [tilespmem:v43+s14+$0x0], $0xffff  }
0x14c: {  	v56 =	vor.u32 $0xE, v24;
	v54 =	vld.idx.msk [tilespmem:v47+s14+$0x0], $0xffff;
	[tilespmem:v37+s14+$0x0] =	vst.idx.msk $0xffff, v52;
	v55 =	vmul.f32 v62, v18  }
0x14d: {  	v58 =	vor.u32 $0xE, v26;
	v57 =	vld.idx.msk [tilespmem:v33+s14+$0x0], $0xffff;
	[tilespmem:v36+s14+$0x0] =	vst.idx.msk $0xffff, v15;
	v15 =	vmul.f32 v49, v21  }
0x14e: {  	v61 =	vor.u32 $0xE, v30;
	v59 =	vld.idx.msk [tilespmem:v32+s14+$0x0], $0xffff;
	[tilespmem:v38+s14+$0x0] =	vst.idx.msk $0xffff, v55;
	v60 =	vmul.f32 v51, v23  }
0x14f: {  	v13 =	vor.u32 $0xF, v13;
	[tilespmem:v31+s14+$0x0] =	vst.idx.msk $0xffff, v15;
	v15 =	vmul.f32 v53, v25;
	v38 =	vld.idx.msk [tilespmem:v34+s14+$0x0], $0xffff  }
0x150: {  	v16 =	vor.u32 $0xF, v16;
	v31 =	vld.idx.msk [tilespmem:v19+s14+$0x0], $0xffff;
	[tilespmem:v42+s14+$0x0] =	vst.idx.msk $0xffff, v60;
	v28 =	vmul.f32 v28, v27  }
0x151: {  	v17 =	vor.u32 $0xF, v17;
	v62 =	vmul.f32 v54, v11;
	[tilespmem:v41+s14+$0x0] =	vst.idx.msk $0xffff, v15;
	v63 =	vld.idx.msk [tilespmem:v56+s14+$0x0], $0xffff  }
0x152: {  	v20 =	vor.u32 $0xF, v20;
	v15 =	vmul.f32 v57, v12;
	v46 =	vld.idx.msk [tilespmem:v58+s14+$0x0], $0xffff;
	[tilespmem:v43+s14+$0x0] =	vst.idx.msk $0xffff, v28  }
0x153: {  	v22 =	vor.u32 $0xF, v22;
	[tilespmem:v47+s14+$0x0] =	vst.idx.msk $0xffff, v62;
	v48 =	vmul.f32 v59, v14;
	v49 =	vld.idx.msk [tilespmem:v61+s14+$0x0], $0xffff  }
0x154: {  	v24 =	vor.u32 $0xF, v24;
	v50 =	vld.idx.msk [tilespmem:v13+s14+$0x0], $0xffff;
	[tilespmem:v33+s14+$0x0] =	vst.idx.msk $0xffff, v15;
	v15 =	vmul.f32 v38, v18  }
0x155: {  	v26 =	vor.u32 $0xF, v26;
	v33 =	vld.idx.msk [tilespmem:v16+s14+$0x0], $0xffff;
	[tilespmem:v32+s14+$0x0] =	vst.idx.msk $0xffff, v48;
	v51 =	vmul.f32 v31, v21  }
0x156: {  	v30 =	vor.u32 $0xF, v30;
	v52 =	vld.idx.msk [tilespmem:v17+s14+$0x0], $0xffff;
	[tilespmem:v34+s14+$0x0] =	vst.idx.msk $0xffff, v15;
	v15 =	vmul.f32 v63, v23  }
0x157: {  	[tilespmem:v19+s14+$0x0] =	vst.idx.msk $0xffff, v51;
	v19 =	vmul.f32 v46, v25;
	v53 =	vld.idx.msk [tilespmem:v20+s14+$0x0], $0xffff  }
0x158: {  	v28 =	vld.idx.msk [tilespmem:v22+s14+$0x0], $0xffff;
	[tilespmem:v56+s14+$0x0] =	vst.idx.msk $0xffff, v15;
	v15 =	vmul.f32 v49, v27  }
0x159: {  	v11 =	vmul.f32 v50, v11;
	[tilespmem:v58+s14+$0x0] =	vst.idx.msk $0xffff, v19;
	v54 =	vld.idx.msk [tilespmem:v24+s14+$0x0], $0xffff  }
0x15a: {  	v12 =	vmul.f32 v33, v12;
	v19 =	vld.idx.msk [tilespmem:v26+s14+$0x0], $0xffff;
	[tilespmem:v61+s14+$0x0] =	vst.idx.msk $0xffff, v15  }
0x15b: {  	[tilespmem:v13+s14+$0x0] =	vst.idx.msk $0xffff, v11;
	v11 =	vmul.f32 v52, v14;
	v13 =	vld.idx.msk [tilespmem:v30+s14+$0x0], $0xffff  }
0x15c: {  	[tilespmem:v16+s14+$0x0] =	vst.idx.msk $0xffff, v12;
	v12 =	vmul.f32 v53, v18  }
0x15d: {  	[tilespmem:v17+s14+$0x0] =	vst.idx.msk $0xffff, v11;
	v11 =	vmul.f32 v28, v21  }
0x15e: {  	[tilespmem:v20+s14+$0x0] =	vst.idx.msk $0xffff, v12;
	v12 =	vmul.f32 v54, v23  }
0x15f: {  	[tilespmem:v22+s14+$0x0] =	vst.idx.msk $0xffff, v11;
	v11 =	vmul.f32 v19, v25  }
0x160: {  	[tilespmem:v24+s14+$0x0] =	vst.idx.msk $0xffff, v12;
	v12 =	vmul.f32 v13, v27  }
0x161: {  	s25 =	sshll.u32 s23, $0xD;
	[tilespmem:v26+s14+$0x0] =	vst.idx.msk $0xffff, v11  }
0x162: {  	s26 =	simm.s32 $0x0;
	s25 =	sadd.s32 s25, s8;
	[tilespmem:v30+s14+$0x0] =	vst.idx.msk $0xffff, v12  }
0x163: {  	[hbm4b:s25+s26] =	stream.linear.scatter [tilespmem:s14], [sflag:$0x5], $0x8000, $0x38;
	[tilespmem:$0x1A000] =	vst v63  }
0x164: {  	_ =	swait.ge [sflag:s17], $0x8000  }
0x165: {  	v11 =	vor.u32 s26, v9;
	[sflag:s17] =	ssyncset.done $0x0  }
0x166: {  	v12 =	vor.u32 s26, v8;
	[sflag:s17] =	ssyncadd.s32 $0xFFFF8000  }
0x167: {  	v13 =	vor.u32 s26, v7;
	_ =	swait.ge [sflag:s18], $0x4000  }
0x168: {  	v14 =	vor.u32 s26, v6;
	[sflag:s18] =	ssyncset.done $0x0  }
0x169: {  	v15 =	vor.u32 s26, v4;
	[sflag:s18] =	ssyncadd.s32 $0xFFFFC000  }
0x16a: {  	v16 =	vor.u32 s26, v3;
	v17 =	vld.idx.msk [tilespmem:v11+s15+$0x0], $0xffff  }
0x16b: {  	s30 =	simm.s32 $0x80;
	v18 =	vor.u32 s26, v2;
	v12 =	vld.idx.msk [tilespmem:v12+s15+$0x0], $0xffff  }
0x16c: {  	v21 =	vor.u32 s30, v6;
	v13 =	vld.idx.msk [tilespmem:v13+s15+$0x0], $0xffff  }
0x16d: {  	v24 =	vor.u32 s30, v3;
	v14 =	vld.idx.msk [tilespmem:v14+s15+$0x0], $0xffff  }
0x16e: {  	v26 =	vor.u32 s30, v0;
	v15 =	vld.idx.msk [tilespmem:v15+s15+$0x0], $0xffff  }
0x16f: {  	v27 =	vor.u32 s30, v2;
	v16 =	vld.idx.msk [tilespmem:v16+s15+$0x0], $0xffff  }
0x170: {  	s31 =	simm.s32 $0x100;
	v23 =	vmov s26;
	v11 =	vor.u32 s26, v0;
	v18 =	vld.idx.msk [tilespmem:v18+s15+$0x0], $0xffff  }
0x171: {  	v60 =	vor.u32 s31, v7;
	v58 =	vor.u32 s31, v9;
	v23 =	vshll.u32 v23, $0x8;
	v21 =	vld.idx.msk [tilespmem:v21+s15+$0x0], $0xffff  }
0x172: {  	v19 =	vor.u32 s30, v8;
	v20 =	vor.u32 s30, v9;
	v23 =	vor.u32 v5, v23;
	v24 =	vld.idx.msk [tilespmem:v24+s15+$0x0], $0xffff  }
0x173: {  	v22 =	vor.u32 s30, v7;
	v25 =	vor.u32 s30, v4;
	v23 =	vand.u32 $0xFF00, v23;
	v26 =	vld.idx.msk [tilespmem:v26+s15+$0x0], $0xffff  }
0x174: {  	v27 =	vld.idx.msk [tilespmem:v27+s15+$0x0], $0xffff;
	v55 =	vand.u32 $0x7FFFFFFF, v12;
	vm0 =	vge.f32 v17, $0.0e+00;
	v56 =	vand.u32 $0x7FFFFFFF, v14  }
0x175: {  	v11 =	vld.idx.msk [tilespmem:v11+s15+$0x0], $0xffff;
	v57 =	vand.u32 $0x7FFFFFFF, v13;
	vm1 =	vge.f32 v12, $0.0e+00;
	v12 =	vand.u32 $0x7FFFFFFF, v15  }
0x176: {  	vm2 =	vge.f32 v14, $0.0e+00;
	vm3 =	vge.f32 v13, $0.0e+00;
	v13 =	vand.u32 $0x7FFFFFFF, v16  }
0x177: {  	vm5 =	vge.f32 v15, $0.0e+00;
	vm10 =	vge.f32 v18, $0.0e+00;
	vm11 =	vge.f32 v16, $0.0e+00  }
0x178: {  	v16 =	vand.u32 $0x7FFFFFFF, v18;
	v62 =	vand.u32 $0x7FFFFFFF, v21;
	vm12 =	vge.f32 v26, $0.0e+00  }
0x179: {  	vm14 =	vge.f32 v27, $0.0e+00;
	vm15 =	vge.f32 v24, $0.0e+00;
	v15 =	vsel vm10, $0x2, v1  }
0x17a: {  	v18 =	vsel vm11, $0x4, v1;
	vm4 =	vge.f32 v11, $0.0e+00;
	v11 =	vand.u32 $0x7FFFFFFF, v11  }
0x17b: {  	v14 =	vsel vm4, $0x1, v1;
	v11 =	vmin.f32 v11, v16;
	v16 =	vsel vm2, $0x10, v1  }
0x17c: {  	vm2 =	vge.f32 v21, $0.0e+00;
	v14 =	vor.u32 v14, v23;
	v13 =	vmin.f32 v11, v13;
	v11 =	vld.idx.msk [tilespmem:v20+s15+$0x0], $0xffff  }
0x17d: {  	v21 =	vsel vm12, $0x1, v1;
	v23 =	vld.idx.msk [tilespmem:v25+s15+$0x0], $0xffff;
	v25 =	vor.u32 s31, v8;
	v14 =	vor.u32 v15, v14  }
0x17e: {  	v15 =	vsel vm5, $0x8, v1;
	v12 =	vmin.f32 v13, v12;
	v14 =	vor.u32 v18, v14  }
0x17f: {  	v13 =	vsel vm3, $0x20, v1;
	v12 =	vmin.f32 v12, v56;
	v14 =	vor.u32 v15, v14  }
0x180: {  	v15 =	vsel vm1, $0x40, v1;
	v12 =	vmin.f32 v12, v57;
	v14 =	vor.u32 v16, v14  }
0x181: {  	v12 =	vmin.f32 v12, v55;
	v13 =	vor.u32 v13, v14;
	v14 =	vsel vm0, $0x80, v1  }
0x182: {  	v16 =	vld.idx.msk [tilespmem:v19+s15+$0x0], $0xffff;
	vm0 =	vge.f32 v11, $0.0e+00;
	v63 =	vand.u32 $0x7FFFFFFF, v23;
	vm13 =	vge.f32 v23, $0.0e+00  }
0x183: {  	v19 =	vld.idx.msk [tilespmem:v22+s15+$0x0], $0xffff;
	v23 =	vsel vm14, $0x2, v1;
	v13 =	vor.u32 v15, v13;
	v15 =	vand.u32 $0x7FFFFFFF, v17  }
0x184: {  	s28 =	simm.s32 $0x10;
	v17 =	vor.u32 s31, v4;
	v22 =	vor.u32 v14, v13;
	v59 =	vmin.f32 v12, v15  }
0x185: {  	v15 =	vor.u32 s31, v6;
	v12 =	vmov s28;
	v14 =	vor.u32 s31, v3  }
0x186: {  	v13 =	vor.u32 s31, v0;
	v18 =	vshll.u32 v12, $0x8;
	v12 =	vor.u32 s31, v2  }
0x187: {  	v20 =	vor.u32 v5, v18;
	v18 =	vand.u32 $0x7FFFFFFF, v16;
	vm1 =	vge.f32 v16, $0.0e+00  }
0x188: {  	vm3 =	vge.f32 v19, $0.0e+00;
	v16 =	vand.u32 $0x7FFFFFFF, v26;
	v61 =	vand.u32 $0xFF00, v20  }
0x189: {  	v26 =	vsel vm15, $0x4, v1;
	v20 =	vand.u32 $0x7FFFFFFF, v19;
	v21 =	vor.u32 v21, v61  }
0x18a: {  	v19 =	vand.u32 $0x7FFFFFFF, v24;
	v24 =	vand.u32 $0x7FFFFFFF, v27;
	v21 =	vor.u32 v23, v21  }
0x18b: {  	v23 =	vmin.f32 v16, v24;
	v24 =	vsel vm13, $0x8, v1;
	v21 =	vor.u32 v26, v21  }
0x18c: {  	s25 =	simm.s32 $0x8800;
	v16 =	vld.idx.msk [tilespmem:v58+s15+$0x0], $0xffff;
	v23 =	vmin.f32 v23, v19;
	v26 =	vsel vm2, $0x10, v1;
	v21 =	vor.u32 v24, v21  }
0x18d: {  	s26 =	simm.s32 $0x9800;
	[tilespmem:s25+$0x0] =	vst v22;
	v19 =	vld.idx.msk [tilespmem:v25+s15+$0x0], $0xffff;
	v22 =	vmin.f32 v23, v63;
	v23 =	vsel vm3, $0x20, v1;
	v25 =	vor.u32 v26, v21  }
0x18e: {  	s29 =	simm.s32 $0x180;
	[tilespmem:s26+$0x0] =	vst v59;
	v21 =	vld.idx.msk [tilespmem:v60+s15+$0x0], $0xffff;
	v24 =	vmin.f32 v22, v62;
	v22 =	vsel vm1, $0x40, v1;
	v23 =	vor.u32 v23, v25  }
.LBB2_7:
0x18f: {  	p0 =	sne.s32 s29, $0x3F80;
	v25 =	vld.idx.msk [tilespmem:v15+s15+$0x0], $0xffff;
	v15 =	vmin.f32 v24, v20;
	v20 =	vsel vm0, $0x80, v1;
	v22 =	vor.u32 v22, v23  }
0x190: {  	s25 =	sadd.s32 $0x10, s25;
	v23 =	vld.idx.msk [tilespmem:v17+s15+$0x0], $0xffff;
	v15 =	vmin.f32 v15, v18;
	v18 =	vand.u32 $0x7FFFFFFF, v11;
	v17 =	vor.u32 v20, v22  }
0x191: {  	v24 =	vor.u32 s29, v9;
	s28 =	sadd.s32 $0x10, s28;
	s26 =	sadd.s32 $0x10, s26;
	v22 =	vor.u32 s29, v8;
	v26 =	vld.idx.msk [tilespmem:v14+s15+$0x0], $0xffff;
	v14 =	vmin.f32 v15, v18;
	[tilespmem:s25+$0x0] =	vst v17  }
0x192: {  	v27 =	vor.u32 s29, v7;
	v15 =	vor.u32 s29, v6;
	v11 =	vmovc v16;
	v28 =	vld.idx.msk [tilespmem:v13+s15+$0x0], $0xffff;
	v13 =	vmov s28;
	[tilespmem:s26+$0x0] =	vst v14  }
0x193: {  	v17 =	vor.u32 s29, v4;
	v14 =	vor.u32 s29, v3;
	v16 =	vld.idx.msk [tilespmem:v12+s15+$0x0], $0xffff;
	v18 =	vshll.u32 v13, $0x8  }
0x194: {  	v13 =	vor.u32 s29, v0;
	v12 =	vor.u32 s29, v2;
	v20 =	vor.u32 v5, v18  }
0x195: {  	vm0 =	vge.f32 v11, $0.0e+00;
	v18 =	vand.u32 $0x7FFFFFFF, v19;
	v29 =	vand.u32 $0xFF00, v20  }
0x196: {  	vm1 =	vge.f32 v19, $0.0e+00;
	v30 =	vand.u32 $0x7FFFFFFF, v25;
	v20 =	vand.u32 $0x7FFFFFFF, v21  }
0x197: {  	vm3 =	vge.f32 v21, $0.0e+00;
	vm2 =	vge.f32 v25, $0.0e+00;
	v31 =	vand.u32 $0x7FFFFFFF, v23  }
0x198: {  	vm5 =	vge.f32 v23, $0.0e+00;
	v19 =	vand.u32 $0x7FFFFFFF, v26;
	vm4 =	vge.f32 v28, $0.0e+00  }
0x199: {  	v21 =	vand.u32 $0x7FFFFFFF, v28;
	v23 =	vsel vm4, $0x1, v1;
	vm4 =	vge.f32 v16, $0.0e+00  }
0x19a: {  	v25 =	vsel vm4, $0x2, v1;
	vm4 =	vge.f32 v26, $0.0e+00;
	v23 =	vor.u32 v23, v29  }
.Ltmp2:
0x19b: {  	v16 =	vand.u32 $0x7FFFFFFF, v16;
	v26 =	vsel vm4, $0x4, v1;
	v23 =	vor.u32 v25, v23;
	(pc) =	sbr.rel @p0 .LBB2_7-.Ltmp2, $4  }
0x19c: {  	v21 =	vmin.f32 v21, v16;
	v25 =	vsel vm5, $0x8, v1;
	v23 =	vor.u32 v26, v23  }
0x19d: {  	v21 =	vmin.f32 v21, v19;
	v23 =	vor.u32 v25, v23;
	v16 =	vld.idx.msk [tilespmem:v24+s15+$0x0], $0xffff;
	v24 =	vsel vm2, $0x10, v1  }
0x19e: {  	v25 =	vsel vm3, $0x20, v1;
	v19 =	vld.idx.msk [tilespmem:v22+s15+$0x0], $0xffff;
	v22 =	vmin.f32 v21, v31;
	v23 =	vor.u32 v24, v23  }
0x19f: {  	s29 =	sadd.s32 $0x80, s29;
	v21 =	vld.idx.msk [tilespmem:v27+s15+$0x0], $0xffff;
	v24 =	vmin.f32 v22, v30;
	v22 =	vsel vm1, $0x40, v1;
	v23 =	vor.u32 v25, v23  }
0x1a0: {  	_ =	sdelay $0x3  }
0x1a1: {  	v15 =	vld.idx.msk [tilespmem:v15+s15+$0x0], $0xffff  }
0x1a2: {  	v20 =	vmin.f32 v24, v20;
	v17 =	vld.idx.msk [tilespmem:v17+s15+$0x0], $0xffff  }
0x1a3: {  	s28 =	sadd.s32 $0x10, s28;
	v24 =	vsel vm0, $0x80, v1;
	v22 =	vor.u32 v22, v23;
	v14 =	vld.idx.msk [tilespmem:v14+s15+$0x0], $0xffff;
	v11 =	vand.u32 $0x7FFFFFFF, v11  }
0x1a4: {  	v13 =	vld.idx.msk [tilespmem:v13+s15+$0x0], $0xffff;
	v23 =	vmov s28;
	v18 =	vmin.f32 v20, v18;
	v22 =	vor.u32 v24, v22  }
0x1a5: {  	v12 =	vld.idx.msk [tilespmem:v12+s15+$0x0], $0xffff;
	v20 =	vshll.u32 v23, $0x8;
	v11 =	vmin.f32 v18, v11;
	vm13 =	vge.f32 v16, $0.0e+00  }
0x1a6: {  	v18 =	vor.u32 v5, v20;
	v20 =	vand.u32 $0x7FFFFFFF, v19;
	vm1 =	vge.f32 v19, $0.0e+00  }
0x1a7: {  	v18 =	vand.u32 $0xFF00, v18;
	v24 =	vand.u32 $0x7FFFFFFF, v21;
	vm3 =	vge.f32 v21, $0.0e+00  }
0x1a8: {  	v23 =	vand.u32 $0x7FFFFFFF, v15;
	v19 =	vand.u32 $0x7FFFFFFF, v17;
	vm2 =	vge.f32 v15, $0.0e+00  }
0x1a9: {  	vm4 =	vge.f32 v13, $0.0e+00;
	v15 =	vand.u32 $0x7FFFFFFF, v14;
	vm5 =	vge.f32 v17, $0.0e+00  }
0x1aa: {  	v13 =	vand.u32 $0x7FFFFFFF, v13;
	vm14 =	vge.f32 v12, $0.0e+00;
	v17 =	vsel vm4, $0x1, v1  }
0x1ab: {  	vm15 =	vge.f32 v14, $0.0e+00;
	v21 =	vsel vm14, $0x2, v1;
	v14 =	vor.u32 v17, v18  }
0x1ac: {  	v12 =	vand.u32 $0x7FFFFFFF, v12;
	v17 =	vsel vm15, $0x4, v1;
	v14 =	vor.u32 v21, v14  }
0x1ad: {  	v12 =	vmin.f32 v13, v12;
	v13 =	vsel vm5, $0x8, v1;
	v14 =	vor.u32 v17, v14  }
0x1ae: {  	v12 =	vmin.f32 v12, v15;
	v15 =	vsel vm2, $0x10, v1;
	v13 =	vor.u32 v13, v14  }
0x1af: {  	v12 =	vmin.f32 v12, v19;
	v14 =	vsel vm3, $0x20, v1;
	v13 =	vor.u32 v15, v13  }
0x1b0: {  	s25 =	sadd.s32 $0x10, s25;
	v12 =	vmin.f32 v12, v23;
	v15 =	vsel vm1, $0x40, v1;
	v13 =	vor.u32 v14, v13  }
0x1b1: {  	s26 =	sadd.s32 $0x10, s26;
	[tilespmem:s25+$0x0] =	vst v22;
	v12 =	vmin.f32 v12, v24;
	v14 =	vsel vm13, $0x80, v1;
	v13 =	vor.u32 v15, v13  }
0x1b2: {  	s25 =	sadd.s32 $0x10, s25;
	[tilespmem:s26+$0x0] =	vst v11;
	v11 =	vmin.f32 v12, v20;
	v12 =	vand.u32 $0x7FFFFFFF, v16;
	v13 =	vor.u32 v14, v13  }
0x1b3: {  	p0 =	seq.s32 s23, $0x7;
	s29 =	sadd.s32 $0x10, s26;
	v11 =	vmin.f32 v11, v12;
	[tilespmem:s25+$0x0] =	vst v13  }
0x1b4: {  	s30 =	simm.s32 $0x0;
	s26 =	sshll.u32 @!p0 s23, $0xC;
	[tilespmem:s29+$0x0] =	vst v11  }
0x1b5: {  	v11 =	vmov s30;
	[tilespmem:s20], [sflag:$0x4] =	stream.indirect.gather [hbm4b:s4+s12], $0x10, s19, s12, $0xb8;
	[tilespmem:$0x1A000] =	vst v63  }
0x1b6: {  	s25 =	sadd.s32 @!p0 s26, s9;
	s26 =	simm.s32 @!p0 $0x0;
	v11 =	vshll.u32 v11, $0x4  }
0x1b7: {  	v19 =	vor.u32 v10, v11;
	[tilespmem:s26], [sflag:$0x1] =	stream.linear.gather @!p0 [hbm4b:s25+s26], $0x4000, $0x38;
	[tilespmem:$0x1A000] =	vst v63  }
0x1b8: {  	_ =	swait.ge [sflag:s21], $0x8000  }
0x1b9: {  	[sflag:s21] =	ssyncset.done $0x0  }
0x1ba: {  	s31 =	simm.s32 $0x9800;
	[sflag:s21] =	ssyncadd.s32 $0xFFFF8000  }
0x1bb: {  	v15 =	vld [tilespmem:s31+$0x0]  }
0x1bc: {  	v11 =	vld.idx.msk [tilespmem:v19+s20+$0x0], $0xffff;
	_ =	sdelay $0x2  }
0x1bd: {  	v12 =	vor.u32 $0x1, v19;
	_ =	sdelay $0x1  }
0x1be: {  	v11 =	vmul.f32 v11, v15  }
0x1bf: {  	s26 =	simm.s32 $0x10  }
0x1c0: {  	v13 =	vmov s26;
	[tilespmem:v19+s20+$0x0] =	vst.idx.msk $0xffff, v11  }
0x1c1: {  	v13 =	vshll.u32 v13, $0x4;
	v11 =	vld.idx.msk [tilespmem:v12+s20+$0x0], $0xffff  }
0x1c2: {  	v13 =	vor.u32 v10, v13;
	_ =	sdelay $0x1  }
0x1c3: {  	v14 =	vor.u32 $0x2, v19;
	_ =	sdelay $0x1  }
0x1c4: {  	v16 =	vmul.f32 v11, v15  }
0x1c5: {  	s28 =	simm.s32 $0x9810;
	v17 =	vld.idx.msk [tilespmem:v13+s20+$0x0], $0xffff  }
0x1c6: {  	v11 =	vld [tilespmem:s28+$0x0];
	[tilespmem:v12+s20+$0x0] =	vst.idx.msk $0xffff, v16  }
0x1c7: {  	v12 =	vld.idx.msk [tilespmem:v14+s20+$0x0], $0xffff;
	_ =	sdelay $0x1  }
0x1c8: {  	v18 =	vor.u32 $0x1, v13  }
0x1c9: {  	v20 =	vor.u32 $0x3, v19  }
0x1ca: {  	v16 =	vmul.f32 v17, v11  }
0x1cb: {  	v12 =	vmul.f32 v12, v15  }
0x1cc: {  	s29 =	simm.s32 $0x20;
	[tilespmem:v13+s20+$0x0] =	vst.idx.msk $0xffff, v16  }
0x1cd: {  	v17 =	vld.idx.msk [tilespmem:v18+s20+$0x0], $0xffff;
	[tilespmem:v14+s20+$0x0] =	vst.idx.msk $0xffff, v12;
	v12 =	vmov s29  }
0x1ce: {  	v14 =	vld.idx.msk [tilespmem:v20+s20+$0x0], $0xffff;
	v12 =	vshll.u32 v12, $0x4  }
0x1cf: {  	v16 =	vor.u32 v10, v12  }
0x1d0: {  	v21 =	vor.u32 $0x2, v13  }
0x1d1: {  	v22 =	vor.u32 $0x4, v19  }
0x1d2: {  	s30 =	simm.s32 $0x9820;
	v17 =	vmul.f32 v17, v11  }
0x1d3: {  	v12 =	vld [tilespmem:s30+$0x0];
	v14 =	vmul.f32 v14, v15  }
0x1d4: {  	[tilespmem:v18+s20+$0x0] =	vst.idx.msk $0xffff, v17;
	v23 =	vld.idx.msk [tilespmem:v16+s20+$0x0], $0xffff  }
0x1d5: {  	v17 =	vld.idx.msk [tilespmem:v21+s20+$0x0], $0xffff;
	[tilespmem:v20+s20+$0x0] =	vst.idx.msk $0xffff, v14  }
0x1d6: {  	v14 =	vld.idx.msk [tilespmem:v22+s20+$0x0], $0xffff  }
0x1d7: {  	v18 =	vor.u32 $0x1, v16  }
0x1d8: {  	v20 =	vor.u32 $0x3, v13  }
0x1d9: {  	v24 =	vor.u32 $0x5, v19;
	v23 =	vmul.f32 v23, v12  }
0x1da: {  	v17 =	vmul.f32 v17, v11  }
0x1db: {  	s31 =	simm.s32 $0x30;
	[tilespmem:v16+s20+$0x0] =	vst.idx.msk $0xffff, v23;
	v14 =	vmul.f32 v14, v15  }
0x1dc: {  	[tilespmem:v21+s20+$0x0] =	vst.idx.msk $0xffff, v17;
	v17 =	vmov s31;
	v23 =	vld.idx.msk [tilespmem:v18+s20+$0x0], $0xffff  }
0x1dd: {  	v21 =	vld.idx.msk [tilespmem:v20+s20+$0x0], $0xffff;
	[tilespmem:v22+s20+$0x0] =	vst.idx.msk $0xffff, v14;
	v14 =	vshll.u32 v17, $0x4  }
0x1de: {  	v22 =	vld.idx.msk [tilespmem:v24+s20+$0x0], $0xffff;
	v17 =	vor.u32 v10, v14  }
0x1df: {  	v25 =	vor.u32 $0x2, v16  }
0x1e0: {  	v26 =	vor.u32 $0x4, v13  }
0x1e1: {  	v27 =	vor.u32 $0x6, v19;
	s26 =	simm.s32 $0x9830;
	v23 =	vmul.f32 v23, v12  }
0x1e2: {  	v14 =	vld [tilespmem:s26+$0x0];
	v21 =	vmul.f32 v21, v11  }
0x1e3: {  	v28 =	vld.idx.msk [tilespmem:v17+s20+$0x0], $0xffff;
	[tilespmem:v18+s20+$0x0] =	vst.idx.msk $0xffff, v23;
	v18 =	vmul.f32 v22, v15  }
0x1e4: {  	[tilespmem:v20+s20+$0x0] =	vst.idx.msk $0xffff, v21;
	v22 =	vld.idx.msk [tilespmem:v25+s20+$0x0], $0xffff  }
0x1e5: {  	v20 =	vld.idx.msk [tilespmem:v26+s20+$0x0], $0xffff;
	[tilespmem:v24+s20+$0x0] =	vst.idx.msk $0xffff, v18  }
0x1e6: {  	v21 =	vor.u32 $0x1, v17;
	v18 =	vld.idx.msk [tilespmem:v27+s20+$0x0], $0xffff  }
0x1e7: {  	v23 =	vor.u32 $0x3, v16  }
0x1e8: {  	v24 =	vmul.f32 v28, v14;
	v28 =	vor.u32 $0x5, v13  }
0x1e9: {  	v29 =	vor.u32 $0x7, v19;
	v22 =	vmul.f32 v22, v12  }
0x1ea: {  	s28 =	simm.s32 $0x40;
	v20 =	vmul.f32 v20, v11;
	[tilespmem:v17+s20+$0x0] =	vst.idx.msk $0xffff, v24  }
0x1eb: {  	v24 =	vld.idx.msk [tilespmem:v21+s20+$0x0], $0xffff;
	[tilespmem:v25+s20+$0x0] =	vst.idx.msk $0xffff, v22;
	v18 =	vmul.f32 v18, v15;
	v22 =	vmov s28  }
0x1ec: {  	[tilespmem:v26+s20+$0x0] =	vst.idx.msk $0xffff, v20;
	v25 =	vld.idx.msk [tilespmem:v23+s20+$0x0], $0xffff;
	v20 =	vshll.u32 v22, $0x4  }
0x1ed: {  	v22 =	vld.idx.msk [tilespmem:v28+s20+$0x0], $0xffff;
	[tilespmem:v27+s20+$0x0] =	vst.idx.msk $0xffff, v18;
	v20 =	vor.u32 v10, v20  }
0x1ee: {  	v27 =	vor.u32 $0x2, v17;
	v26 =	vld.idx.msk [tilespmem:v29+s20+$0x0], $0xffff  }
0x1ef: {  	v30 =	vor.u32 $0x4, v16  }
0x1f0: {  	v31 =	vor.u32 $0x6, v13;
	s29 =	simm.s32 $0x9840;
	v24 =	vmul.f32 v24, v14  }
0x1f1: {  	v32 =	vor.u32 $0x8, v19;
	v18 =	vld [tilespmem:s29+$0x0];
	v25 =	vmul.f32 v25, v12  }
0x1f2: {  	v33 =	vld.idx.msk [tilespmem:v20+s20+$0x0], $0xffff;
	[tilespmem:v21+s20+$0x0] =	vst.idx.msk $0xffff, v24;
	v21 =	vmul.f32 v22, v11  }
0x1f3: {  	v22 =	vld.idx.msk [tilespmem:v27+s20+$0x0], $0xffff;
	[tilespmem:v23+s20+$0x0] =	vst.idx.msk $0xffff, v25;
	v23 =	vmul.f32 v26, v15  }
0x1f4: {  	v24 =	vld.idx.msk [tilespmem:v30+s20+$0x0], $0xffff;
	[tilespmem:v28+s20+$0x0] =	vst.idx.msk $0xffff, v21  }
0x1f5: {  	v21 =	vld.idx.msk [tilespmem:v31+s20+$0x0], $0xffff;
	[tilespmem:v29+s20+$0x0] =	vst.idx.msk $0xffff, v23;
	v23 =	vor.u32 $0x1, v20  }
0x1f6: {  	v26 =	vor.u32 $0x3, v17;
	v25 =	vld.idx.msk [tilespmem:v32+s20+$0x0], $0xffff  }
0x1f7: {  	v29 =	vor.u32 $0x5, v16;
	v28 =	vmul.f32 v33, v18  }
0x1f8: {  	v50 =	vor.u32 $0x7, v13;
	v22 =	vmul.f32 v22, v14  }
0x1f9: {  	s30 =	simm.s32 $0x50;
	[tilespmem:v20+s20+$0x0] =	vst.idx.msk $0xffff, v28;
	v24 =	vmul.f32 v24, v12;
	v28 =	vor.u32 $0x9, v19  }
0x1fa: {  	v34 =	vld.idx.msk [tilespmem:v23+s20+$0x0], $0xffff;
	[tilespmem:v27+s20+$0x0] =	vst.idx.msk $0xffff, v22;
	v21 =	vmul.f32 v21, v11;
	v22 =	vmov s30  }
0x1fb: {  	v27 =	vld.idx.msk [tilespmem:v26+s20+$0x0], $0xffff;
	[tilespmem:v30+s20+$0x0] =	vst.idx.msk $0xffff, v24;
	v24 =	vmul.f32 v25, v15;
	v22 =	vshll.u32 v22, $0x4  }
0x1fc: {  	v25 =	vld.idx.msk [tilespmem:v29+s20+$0x0], $0xffff;
	[tilespmem:v31+s20+$0x0] =	vst.idx.msk $0xffff, v21;
	v22 =	vor.u32 v10, v22  }
0x1fd: {  	v30 =	vld.idx.msk [tilespmem:v50+s20+$0x0], $0xffff;
	[tilespmem:v32+s20+$0x0] =	vst.idx.msk $0xffff, v24;
	v24 =	vor.u32 $0x2, v20  }
0x1fe: {  	v51 =	vor.u32 $0x4, v17;
	v31 =	vld.idx.msk [tilespmem:v28+s20+$0x0], $0xffff  }
0x1ff: {  	v35 =	vor.u32 $0x6, v16;
	s31 =	simm.s32 $0x9850;
	v34 =	vmul.f32 v34, v18  }
0x200: {  	v36 =	vor.u32 $0x8, v13;
	v21 =	vld [tilespmem:s31+$0x0];
	v27 =	vmul.f32 v27, v14  }
0x201: {  	v37 =	vld.idx.msk [tilespmem:v22+s20+$0x0], $0xffff;
	[tilespmem:v23+s20+$0x0] =	vst.idx.msk $0xffff, v34;
	v23 =	vmul.f32 v25, v12;
	v25 =	vor.u32 $0xA, v19  }
0x202: {  	v34 =	vld.idx.msk [tilespmem:v24+s20+$0x0], $0xffff;
	[tilespmem:v26+s20+$0x0] =	vst.idx.msk $0xffff, v27;
	v26 =	vmul.f32 v30, v11  }
0x203: {  	v27 =	vld.idx.msk [tilespmem:v51+s20+$0x0], $0xffff;
	[tilespmem:v29+s20+$0x0] =	vst.idx.msk $0xffff, v23;
	v23 =	vmul.f32 v31, v15  }
0x204: {  	v29 =	vld.idx.msk [tilespmem:v35+s20+$0x0], $0xffff;
	[tilespmem:v50+s20+$0x0] =	vst.idx.msk $0xffff, v26;
	v26 =	vor.u32 $0x1, v22  }
0x205: {  	v30 =	vld.idx.msk [tilespmem:v36+s20+$0x0], $0xffff;
	[tilespmem:v28+s20+$0x0] =	vst.idx.msk $0xffff, v23;
	v28 =	vor.u32 $0x3, v20  }
0x206: {  	v52 =	vor.u32 $0x5, v17;
	v23 =	vld.idx.msk [tilespmem:v25+s20+$0x0], $0xffff;
	v31 =	vmul.f32 v37, v21  }
0x207: {  	v53 =	vor.u32 $0x7, v16;
	v34 =	vmul.f32 v34, v18  }
0x208: {  	s26 =	simm.s32 $0x60;
	[tilespmem:v22+s20+$0x0] =	vst.idx.msk $0xffff, v31;
	v27 =	vmul.f32 v27, v14;
	v31 =	vor.u32 $0x9, v13  }
0x209: {  	v54 =	vmov s26;
	v38 =	vld.idx.msk [tilespmem:v26+s20+$0x0], $0xffff;
	[tilespmem:v24+s20+$0x0] =	vst.idx.msk $0xffff, v34;
	v24 =	vmul.f32 v29, v12;
	v29 =	vor.u32 $0xB, v19  }
0x20a: {  	v39 =	vld.idx.msk [tilespmem:v28+s20+$0x0], $0xffff;
	[tilespmem:v51+s20+$0x0] =	vst.idx.msk $0xffff, v27;
	v27 =	vmul.f32 v30, v11;
	v30 =	vshll.u32 v54, $0x4  }
0x20b: {  	v32 =	vld.idx.msk [tilespmem:v52+s20+$0x0], $0xffff;
	[tilespmem:v35+s20+$0x0] =	vst.idx.msk $0xffff, v24;
	v23 =	vmul.f32 v23, v15;
	v24 =	vor.u32 v10, v30  }
0x20c: {  	v30 =	vld.idx.msk [tilespmem:v53+s20+$0x0], $0xffff;
	[tilespmem:v36+s20+$0x0] =	vst.idx.msk $0xffff, v27;
	v27 =	vor.u32 $0x2, v22  }
0x20d: {  	v56 =	vor.u32 $0x4, v20;
	v55 =	vld.idx.msk [tilespmem:v31+s20+$0x0], $0xffff;
	[tilespmem:v25+s20+$0x0] =	vst.idx.msk $0xffff, v23  }
0x20e: {  	v58 =	vor.u32 $0x6, v17;
	s28 =	simm.s32 $0x9860;
	v25 =	vld.idx.msk [tilespmem:v29+s20+$0x0], $0xffff;
	v57 =	vmul.f32 v38, v21  }
0x20f: {  	v40 =	vor.u32 $0x8, v16;
	v23 =	vld [tilespmem:s28+$0x0];
	v39 =	vmul.f32 v39, v18  }
0x210: {  	v59 =	vor.u32 $0xA, v13;
	v41 =	vld.idx.msk [tilespmem:v24+s20+$0x0], $0xffff;
	[tilespmem:v26+s20+$0x0] =	vst.idx.msk $0xffff, v57;
	v26 =	vmul.f32 v32, v14  }
0x211: {  	v36 =	vld.idx.msk [tilespmem:v27+s20+$0x0], $0xffff;
	[tilespmem:v28+s20+$0x0] =	vst.idx.msk $0xffff, v39;
	v28 =	vmul.f32 v30, v12;
	v30 =	vor.u32 $0xC, v19  }
0x212: {  	v39 =	vld.idx.msk [tilespmem:v56+s20+$0x0], $0xffff;
	[tilespmem:v52+s20+$0x0] =	vst.idx.msk $0xffff, v26;
	v26 =	vmul.f32 v55, v11  }
0x213: {  	v33 =	vld.idx.msk [tilespmem:v58+s20+$0x0], $0xffff;
	[tilespmem:v53+s20+$0x0] =	vst.idx.msk $0xffff, v28;
	v25 =	vmul.f32 v25, v15;
	v28 =	vor.u32 $0x1, v24  }
0x214: {  	v61 =	vor.u32 $0x3, v22;
	v60 =	vld.idx.msk [tilespmem:v40+s20+$0x0], $0xffff;
	[tilespmem:v31+s20+$0x0] =	vst.idx.msk $0xffff, v26  }
0x215: {  	v62 =	vor.u32 $0x5, v20;
	v26 =	vld.idx.msk [tilespmem:v59+s20+$0x0], $0xffff;
	[tilespmem:v29+s20+$0x0] =	vst.idx.msk $0xffff, v25;
	v29 =	vmul.f32 v41, v23  }
0x216: {  	v42 =	vor.u32 $0x7, v17;
	s29 =	simm.s32 $0x9870;
	v31 =	vld.idx.msk [tilespmem:v30+s20+$0x0], $0xffff;
	v36 =	vmul.f32 v36, v21  }
0x217: {  	v44 =	vor.u32 $0x9, v16;
	s30 =	simm.s32 $0x70;
	v25 =	vld [tilespmem:s29+$0x0];
	[tilespmem:v24+s20+$0x0] =	vst.idx.msk $0xffff, v29;
	v29 =	vmul.f32 v39, v18  }
0x218: {  	v52 =	vor.u32 $0xB, v13;
	v53 =	vmov s30;
	v63 =	vld.idx.msk [tilespmem:v28+s20+$0x0], $0xffff;
	[tilespmem:v27+s20+$0x0] =	vst.idx.msk $0xffff, v36;
	v27 =	vmul.f32 v33, v14  }
0x219: {  	v54 =	vor.u32 $0xD, v19;
	v33 =	vshll.u32 v53, $0x4;
	v43 =	vld.idx.msk [tilespmem:v61+s20+$0x0], $0xffff;
	[tilespmem:v56+s20+$0x0] =	vst.idx.msk $0xffff, v29;
	v29 =	vmul.f32 v60, v12  }
0x21a: {  	v45 =	vld.idx.msk [tilespmem:v62+s20+$0x0], $0xffff;
	[tilespmem:v58+s20+$0x0] =	vst.idx.msk $0xffff, v27;
	v27 =	vmul.f32 v26, v11;
	v26 =	vor.u32 v10, v33  }
0x21b: {  	v46 =	vor.u32 $0x2, v24;
	v55 =	vld.idx.msk [tilespmem:v42+s20+$0x0], $0xffff;
	[tilespmem:v40+s20+$0x0] =	vst.idx.msk $0xffff, v29;
	v29 =	vmul.f32 v31, v15  }
0x21c: {  	v48 =	vor.u32 $0x4, v22;
	v56 =	vld.idx.msk [tilespmem:v44+s20+$0x0], $0xffff;
	[tilespmem:v59+s20+$0x0] =	vst.idx.msk $0xffff, v27  }
0x21d: {  	v39 =	vor.u32 $0x6, v20;
	v27 =	vld.idx.msk [tilespmem:v52+s20+$0x0], $0xffff;
	[tilespmem:v30+s20+$0x0] =	vst.idx.msk $0xffff, v29;
	v29 =	vmul.f32 v63, v23  }
0x21e: {  	v34 =	vor.u32 $0x8, v17;
	v30 =	vld.idx.msk [tilespmem:v54+s20+$0x0], $0xffff;
	v57 =	vmul.f32 v43, v21  }
0x21f: {  	v31 =	vor.u32 $0xA, v16;
	v58 =	vld.idx.msk [tilespmem:v26+s20+$0x0], $0xffff;
	[tilespmem:v28+s20+$0x0] =	vst.idx.msk $0xffff, v29;
	v28 =	vmul.f32 v45, v18  }
0x220: {  	v29 =	vld.idx.msk [tilespmem:v46+s20+$0x0], $0xffff;
	[tilespmem:v61+s20+$0x0] =	vst.idx.msk $0xffff, v57;
	v59 =	vmul.f32 v55, v14  }
0x221: {  	v33 =	vor.u32 $0xC, v13;
	v60 =	vld.idx.msk [tilespmem:v48+s20+$0x0], $0xffff;
	[tilespmem:v62+s20+$0x0] =	vst.idx.msk $0xffff, v28;
	v61 =	vmul.f32 v56, v12  }
0x222: {  	v28 =	vor.u32 $0xE, v19;
	v49 =	vld.idx.msk [tilespmem:v39+s20+$0x0], $0xffff;
	[tilespmem:v42+s20+$0x0] =	vst.idx.msk $0xffff, v59  }
0x223: {  	v43 =	vor.u32 $0x1, v26;
	v27 =	vmul.f32 v27, v11;
	v50 =	vld.idx.msk [tilespmem:v34+s20+$0x0], $0xffff;
	[tilespmem:v44+s20+$0x0] =	vst.idx.msk $0xffff, v61  }
0x224: {  	s25 =	simm.s32 $0x9880;
	v42 =	vor.u32 $0x3, v24;
	v30 =	vmul.f32 v30, v15;
	v37 =	vld.idx.msk [tilespmem:v31+s20+$0x0], $0xffff  }
0x225: {  	v41 =	vor.u32 $0x5, v22;
	[tilespmem:v52+s20+$0x0] =	vst.idx.msk $0xffff, v27;
	v62 =	vmul.f32 v58, v25;
	v27 =	vld [tilespmem:s25+$0x0]  }
0x226: {  	v40 =	vor.u32 $0x7, v20;
	v38 =	vld.idx.msk [tilespmem:v33+s20+$0x0], $0xffff;
	[tilespmem:v54+s20+$0x0] =	vst.idx.msk $0xffff, v30;
	v29 =	vmul.f32 v29, v23  }
0x227: {  	v36 =	vor.u32 $0x9, v17;
	v35 =	vld.idx.msk [tilespmem:v28+s20+$0x0], $0xffff;
	[tilespmem:v26+s20+$0x0] =	vst.idx.msk $0xffff, v62;
	v63 =	vmul.f32 v60, v21  }
0x228: {  	s31 =	simm.s32 $0x80;
	v32 =	vor.u32 $0xB, v16;
	v47 =	vld.idx.msk [tilespmem:v43+s20+$0x0], $0xffff;
	[tilespmem:v46+s20+$0x0] =	vst.idx.msk $0xffff, v29;
	v45 =	vmul.f32 v49, v18  }
0x229: {  	s26 =	simm.s32 $0x90;
	v30 =	vmov s31;
	v29 =	vor.u32 $0xD, v13;
	v46 =	vld.idx.msk [tilespmem:v42+s20+$0x0], $0xffff;
	[tilespmem:v48+s20+$0x0] =	vst.idx.msk $0xffff, v63;
	v44 =	vmul.f32 v50, v14  }
.LBB2_9:
0x22a: {  	p0 =	sne.s32 s26, $0x7F0;
	v30 =	vshll.u32 v30, $0x4;
	v48 =	vld.idx.msk [tilespmem:v41+s20+$0x0], $0xffff;
	[tilespmem:v39+s20+$0x0] =	vst.idx.msk $0xffff, v45;
	v37 =	vmul.f32 v37, v12;
	v45 =	vor.u32 $0xF, v19  }
0x22b: {  	v30 =	vor.u32 v10, v30;
	v49 =	vld.idx.msk [tilespmem:v40+s20+$0x0], $0xffff;
	[tilespmem:v34+s20+$0x0] =	vst.idx.msk $0xffff, v44;
	v34 =	vmul.f32 v38, v11  }
0x22c: {  	v19 =	vmov v13;
	v44 =	vor.u32 $0x2, v26;
	v38 =	vld.idx.msk [tilespmem:v36+s20+$0x0], $0xffff;
	[tilespmem:v31+s20+$0x0] =	vst.idx.msk $0xffff, v37;
	v31 =	vmul.f32 v35, v15  }
0x22d: {  	v50 =	vor.u32 $0x4, v24;
	v13 =	vmovc v16;
	v16 =	vmov v17;
	v17 =	vmov v20;
	v35 =	vld.idx.msk [tilespmem:v32+s20+$0x0], $0xffff;
	[tilespmem:v33+s20+$0x0] =	vst.idx.msk $0xffff, v34  }
0x22e: {  	v39 =	vor.u32 $0x6, v22;
	v20 =	vmov v22;
	v33 =	vmul.f32 v47, v25;
	v37 =	vld.idx.msk [tilespmem:v29+s20+$0x0], $0xffff;
	[tilespmem:v28+s20+$0x0] =	vst.idx.msk $0xffff, v31  }
0x22f: {  	v22 =	vmovc v24;
	v24 =	vmovc v26;
	v26 =	vmov v30;
	v34 =	vor.u32 $0x8, v17;
	v28 =	vmul.f32 v46, v23;
	v46 =	vld.idx.msk [tilespmem:v45+s20+$0x0], $0xffff  }
0x230: {  	v31 =	vor.u32 $0xA, v16;
	v30 =	vld.idx.msk [tilespmem:v30+s20+$0x0], $0xffff;
	[tilespmem:v43+s20+$0x0] =	vst.idx.msk $0xffff, v33;
	v43 =	vmul.f32 v48, v21;
	v48 =	vmov v25  }
0x231: {  	v33 =	vor.u32 $0xC, v13;
	v25 =	vmov v27;
	v47 =	vld.idx.msk [tilespmem:v44+s20+$0x0], $0xffff;
	[tilespmem:v42+s20+$0x0] =	vst.idx.msk $0xffff, v28;
	v42 =	vmul.f32 v49, v18  }
0x232: {  	v27 =	vmul.f32 v38, v14;
	v28 =	vor.u32 $0xE, v19;
	v49 =	vld.idx.msk [tilespmem:v50+s20+$0x0], $0xffff;
	[tilespmem:v41+s20+$0x0] =	vst.idx.msk $0xffff, v43  }
0x233: {  	v35 =	vmul.f32 v35, v12;
	v51 =	vld.idx.msk [tilespmem:v39+s20+$0x0], $0xffff;
	[tilespmem:v40+s20+$0x0] =	vst.idx.msk $0xffff, v42  }
0x234: {  	v43 =	vor.u32 $0x1, v26;
	v52 =	vld.idx.msk [tilespmem:v34+s20+$0x0], $0xffff;
	[tilespmem:v36+s20+$0x0] =	vst.idx.msk $0xffff, v27;
	v27 =	vmul.f32 v37, v11  }
0x235: {  	v42 =	vor.u32 $0x3, v24;
	v37 =	vld.idx.msk [tilespmem:v31+s20+$0x0], $0xffff;
	[tilespmem:v32+s20+$0x0] =	vst.idx.msk $0xffff, v35;
	v32 =	vmul.f32 v46, v15;
	v15 =	vmov v11  }
.Ltmp3:
0x236: {  	v41 =	vor.u32 $0x5, v22;
	v30 =	vmul.f32 v30, v25;
	v11 =	vmov v12;
	v38 =	vld.idx.msk [tilespmem:v33+s20+$0x0], $0xffff;
	[tilespmem:v29+s20+$0x0] =	vst.idx.msk $0xffff, v27;
	(pc) =	sbr.rel @p0 .LBB2_9-.Ltmp3, $4  }
0x237: {  	s25 =	sadd.s32 $0x10, s25;
	v40 =	vor.u32 $0x7, v20;
	v12 =	vmov v14;
	v29 =	vmul.f32 v47, v48;
	v35 =	vld.idx.msk [tilespmem:v28+s20+$0x0], $0xffff;
	[tilespmem:v45+s20+$0x0] =	vst.idx.msk $0xffff, v32  }
0x238: {  	v36 =	vor.u32 $0x9, v17;
	v14 =	vmovc v18;
	v18 =	vmov v21;
	v49 =	vmul.f32 v49, v23;
	v27 =	vld [tilespmem:s25+$0x0];
	[tilespmem:v26+s20+$0x0] =	vst.idx.msk $0xffff, v30  }
0x239: {  	v21 =	vmov v23;
	v32 =	vor.u32 $0xB, v16;
	v45 =	vmul.f32 v51, v18;
	v47 =	vld.idx.msk [tilespmem:v43+s20+$0x0], $0xffff;
	[tilespmem:v44+s20+$0x0] =	vst.idx.msk $0xffff, v29  }
0x23a: {  	v23 =	vmovc v48;
	v30 =	vmov s26;
	s26 =	sadd.s32 $0x10, s26;
	v44 =	vmul.f32 v52, v14;
	v29 =	vor.u32 $0xD, v13;
	v46 =	vld.idx.msk [tilespmem:v42+s20+$0x0], $0xffff;
	[tilespmem:v50+s20+$0x0] =	vst.idx.msk $0xffff, v49  }
0x23b: {  	v30 =	vshll.u32 v30, $0x4  }
0x23c: {  	v30 =	vor.u32 v10, v30;
	_ =	sdelay $0x4  }
0x23d: {  	v48 =	vld.idx.msk [tilespmem:v30+s20+$0x0], $0xffff;
	_ =	sdelay $0x2  }
0x23e: {  	v49 =	vor.u32 $0x1, v30;
	_ =	sdelay $0x1  }
0x23f: {  	v48 =	vmul.f32 v48, v27;
	_ =	sdelay $0x1  }
0x240: {  	[tilespmem:v30+s20+$0x0] =	vst.idx.msk $0xffff, v48  }
0x241: {  	v48 =	vld.idx.msk [tilespmem:v49+s20+$0x0], $0xffff;
	_ =	sdelay $0x1  }
0x242: {  	v50 =	vor.u32 $0x2, v26  }
0x243: {  	v51 =	vor.u32 $0x2, v30  }
0x244: {  	v47 =	vmul.f32 v47, v25  }
0x245: {  	v48 =	vmul.f32 v48, v27  }
0x246: {  	[tilespmem:v43+s20+$0x0] =	vst.idx.msk $0xffff, v47  }
0x247: {  	v43 =	vld.idx.msk [tilespmem:v50+s20+$0x0], $0xffff;
	[tilespmem:v49+s20+$0x0] =	vst.idx.msk $0xffff, v48  }
0x248: {  	v55 =	vld.idx.msk [tilespmem:v51+s20+$0x0], $0xffff;
	_ =	sdelay $0x1  }
0x249: {  	v56 =	vor.u32 $0x3, v26  }
0x24a: {  	v57 =	vor.u32 $0x3, v30  }
0x24b: {  	v43 =	vmul.f32 v43, v25  }
0x24c: {  	v47 =	vmul.f32 v55, v27  }
0x24d: {  	[tilespmem:v50+s20+$0x0] =	vst.idx.msk $0xffff, v43  }
0x24e: {  	v43 =	vld.idx.msk [tilespmem:v56+s20+$0x0], $0xffff;
	[tilespmem:v51+s20+$0x0] =	vst.idx.msk $0xffff, v47  }
0x24f: {  	v47 =	vld.idx.msk [tilespmem:v57+s20+$0x0], $0xffff  }
0x250: {  	v58 =	vor.u32 $0x4, v24  }
0x251: {  	v59 =	vor.u32 $0x4, v26  }
0x252: {  	v52 =	vor.u32 $0x4, v30;
	v46 =	vmul.f32 v46, v23  }
0x253: {  	v43 =	vmul.f32 v43, v25  }
0x254: {  	[tilespmem:v42+s20+$0x0] =	vst.idx.msk $0xffff, v46;
	v60 =	vmul.f32 v47, v27  }
0x255: {  	v46 =	vld.idx.msk [tilespmem:v58+s20+$0x0], $0xffff;
	[tilespmem:v56+s20+$0x0] =	vst.idx.msk $0xffff, v43  }
0x256: {  	v43 =	vld.idx.msk [tilespmem:v59+s20+$0x0], $0xffff;
	[tilespmem:v57+s20+$0x0] =	vst.idx.msk $0xffff, v60  }
0x257: {  	v42 =	vld.idx.msk [tilespmem:v52+s20+$0x0], $0xffff  }
0x258: {  	v61 =	vor.u32 $0x5, v24  }
0x259: {  	v48 =	vor.u32 $0x5, v26  }
0x25a: {  	v62 =	vor.u32 $0x5, v30;
	v46 =	vmul.f32 v46, v23  }
0x25b: {  	v43 =	vmul.f32 v43, v25  }
0x25c: {  	v53 =	vld.idx.msk [tilespmem:v41+s20+$0x0], $0xffff;
	[tilespmem:v58+s20+$0x0] =	vst.idx.msk $0xffff, v46;
	v42 =	vmul.f32 v42, v27  }
0x25d: {  	v46 =	vld.idx.msk [tilespmem:v61+s20+$0x0], $0xffff;
	[tilespmem:v59+s20+$0x0] =	vst.idx.msk $0xffff, v43  }
0x25e: {  	v43 =	vld.idx.msk [tilespmem:v48+s20+$0x0], $0xffff;
	[tilespmem:v52+s20+$0x0] =	vst.idx.msk $0xffff, v42  }
0x25f: {  	v42 =	vor.u32 $0x6, v22;
	v63 =	vld.idx.msk [tilespmem:v62+s20+$0x0], $0xffff  }
0x260: {  	v51 =	vor.u32 $0x6, v24  }
0x261: {  	v58 =	vor.u32 $0x6, v26;
	v57 =	vmul.f32 v53, v21  }
0x262: {  	v54 =	vor.u32 $0x6, v30;
	v46 =	vmul.f32 v46, v23  }
0x263: {  	v59 =	vmul.f32 v43, v25;
	[tilespmem:v41+s20+$0x0] =	vst.idx.msk $0xffff, v57  }
0x264: {  	[tilespmem:v61+s20+$0x0] =	vst.idx.msk $0xffff, v46;
	v60 =	vld.idx.msk [tilespmem:v42+s20+$0x0], $0xffff;
	v61 =	vmul.f32 v63, v27  }
0x265: {  	v47 =	vld.idx.msk [tilespmem:v51+s20+$0x0], $0xffff;
	[tilespmem:v48+s20+$0x0] =	vst.idx.msk $0xffff, v59  }
0x266: {  	v41 =	vld.idx.msk [tilespmem:v58+s20+$0x0], $0xffff;
	[tilespmem:v62+s20+$0x0] =	vst.idx.msk $0xffff, v61  }
0x267: {  	v62 =	vor.u32 $0x7, v22;
	v63 =	vld.idx.msk [tilespmem:v54+s20+$0x0], $0xffff  }
0x268: {  	v49 =	vor.u32 $0x7, v24  }
0x269: {  	v50 =	vor.u32 $0x7, v26;
	v43 =	vmul.f32 v60, v21  }
0x26a: {  	[tilespmem:v39+s20+$0x0] =	vst.idx.msk $0xffff, v45;
	v45 =	vor.u32 $0x7, v30;
	v52 =	vmul.f32 v47, v23  }
0x26b: {  	v55 =	vld.idx.msk [tilespmem:v40+s20+$0x0], $0xffff;
	v41 =	vmul.f32 v41, v25;
	[tilespmem:v42+s20+$0x0] =	vst.idx.msk $0xffff, v43  }
0x26c: {  	[tilespmem:v51+s20+$0x0] =	vst.idx.msk $0xffff, v52;
	v42 =	vld.idx.msk [tilespmem:v62+s20+$0x0], $0xffff;
	v56 =	vmul.f32 v63, v27  }
0x26d: {  	[tilespmem:v58+s20+$0x0] =	vst.idx.msk $0xffff, v41;
	v57 =	vld.idx.msk [tilespmem:v49+s20+$0x0], $0xffff  }
0x26e: {  	v41 =	vor.u32 $0x8, v20;
	v58 =	vld.idx.msk [tilespmem:v50+s20+$0x0], $0xffff;
	[tilespmem:v54+s20+$0x0] =	vst.idx.msk $0xffff, v56  }
0x26f: {  	v39 =	vor.u32 $0x8, v22;
	v59 =	vld.idx.msk [tilespmem:v45+s20+$0x0], $0xffff  }
0x270: {  	v47 =	vmul.f32 v55, v18;
	v52 =	vor.u32 $0x8, v24  }
0x271: {  	v53 =	vor.u32 $0x8, v26;
	v42 =	vmul.f32 v42, v21  }
0x272: {  	[tilespmem:v40+s20+$0x0] =	vst.idx.msk $0xffff, v47;
	v60 =	vmul.f32 v57, v23;
	v43 =	vor.u32 $0x8, v30  }
0x273: {  	v61 =	vld.idx.msk [tilespmem:v41+s20+$0x0], $0xffff;
	[tilespmem:v62+s20+$0x0] =	vst.idx.msk $0xffff, v42;
	v62 =	vmul.f32 v58, v25  }
0x274: {  	[tilespmem:v49+s20+$0x0] =	vst.idx.msk $0xffff, v60;
	v63 =	vld.idx.msk [tilespmem:v39+s20+$0x0], $0xffff;
	v54 =	vmul.f32 v59, v27  }
0x275: {  	v55 =	vld.idx.msk [tilespmem:v52+s20+$0x0], $0xffff;
	[tilespmem:v50+s20+$0x0] =	vst.idx.msk $0xffff, v62  }
0x276: {  	v46 =	vor.u32 $0x9, v20;
	v56 =	vld.idx.msk [tilespmem:v53+s20+$0x0], $0xffff;
	[tilespmem:v45+s20+$0x0] =	vst.idx.msk $0xffff, v54  }
0x277: {  	v40 =	vor.u32 $0x9, v22;
	v45 =	vld.idx.msk [tilespmem:v43+s20+$0x0], $0xffff  }
0x278: {  	v42 =	vmul.f32 v61, v18;
	v50 =	vor.u32 $0x9, v24  }
0x279: {  	[tilespmem:v34+s20+$0x0] =	vst.idx.msk $0xffff, v44;
	v44 =	vor.u32 $0x9, v26;
	v57 =	vmul.f32 v63, v21  }
0x27a: {  	v58 =	vld.idx.msk [tilespmem:v36+s20+$0x0], $0xffff;
	[tilespmem:v41+s20+$0x0] =	vst.idx.msk $0xffff, v42;
	v59 =	vmul.f32 v55, v23;
	v42 =	vor.u32 $0x9, v30  }
0x27b: {  	v60 =	vld.idx.msk [tilespmem:v46+s20+$0x0], $0xffff;
	[tilespmem:v39+s20+$0x0] =	vst.idx.msk $0xffff, v57;
	v61 =	vmul.f32 v56, v25  }
0x27c: {  	[tilespmem:v52+s20+$0x0] =	vst.idx.msk $0xffff, v59;
	v39 =	vld.idx.msk [tilespmem:v40+s20+$0x0], $0xffff;
	v62 =	vmul.f32 v45, v27  }
0x27d: {  	v63 =	vld.idx.msk [tilespmem:v50+s20+$0x0], $0xffff;
	v45 =	vor.u32 $0xA, v17;
	[tilespmem:v53+s20+$0x0] =	vst.idx.msk $0xffff, v61  }
0x27e: {  	v34 =	vor.u32 $0xA, v20;
	v56 =	vld.idx.msk [tilespmem:v44+s20+$0x0], $0xffff;
	[tilespmem:v43+s20+$0x0] =	vst.idx.msk $0xffff, v62  }
0x27f: {  	v57 =	vmul.f32 v58, v14;
	v43 =	vor.u32 $0xA, v22;
	v58 =	vld.idx.msk [tilespmem:v42+s20+$0x0], $0xffff  }
0x280: {  	v52 =	vor.u32 $0xA, v24;
	v48 =	vmul.f32 v60, v18  }
0x281: {  	[tilespmem:v36+s20+$0x0] =	vst.idx.msk $0xffff, v57;
	v59 =	vmul.f32 v39, v21;
	v39 =	vor.u32 $0xA, v26  }
0x282: {  	[tilespmem:v46+s20+$0x0] =	vst.idx.msk $0xffff, v48;
	v48 =	vor.u32 $0xA, v30;
	v60 =	vmul.f32 v63, v23;
	v41 =	vld.idx.msk [tilespmem:v45+s20+$0x0], $0xffff  }
0x283: {  	v61 =	vld.idx.msk [tilespmem:v34+s20+$0x0], $0xffff;
	[tilespmem:v40+s20+$0x0] =	vst.idx.msk $0xffff, v59;
	v62 =	vmul.f32 v56, v25  }
0x284: {  	[tilespmem:v50+s20+$0x0] =	vst.idx.msk $0xffff, v60;
	v63 =	vld.idx.msk [tilespmem:v43+s20+$0x0], $0xffff;
	v47 =	vmul.f32 v58, v27  }
0x285: {  	v37 =	vmul.f32 v37, v12;
	v49 =	vld.idx.msk [tilespmem:v52+s20+$0x0], $0xffff;
	v40 =	vor.u32 $0xB, v17;
	[tilespmem:v44+s20+$0x0] =	vst.idx.msk $0xffff, v62  }
0x286: {  	v38 =	vmul.f32 v38, v11;
	v50 =	vld.idx.msk [tilespmem:v39+s20+$0x0], $0xffff;
	[tilespmem:v42+s20+$0x0] =	vst.idx.msk $0xffff, v47;
	v42 =	vor.u32 $0xB, v20  }
0x287: {  	[tilespmem:v31+s20+$0x0] =	vst.idx.msk $0xffff, v37;
	v37 =	vor.u32 $0xB, v22;
	v51 =	vmul.f32 v41, v14;
	v53 =	vld.idx.msk [tilespmem:v48+s20+$0x0], $0xffff  }
0x288: {  	[tilespmem:v33+s20+$0x0] =	vst.idx.msk $0xffff, v38;
	v36 =	vor.u32 $0xB, v24;
	v54 =	vmul.f32 v61, v18  }
0x289: {  	v55 =	vld.idx.msk [tilespmem:v32+s20+$0x0], $0xffff;
	[tilespmem:v45+s20+$0x0] =	vst.idx.msk $0xffff, v51;
	v56 =	vmul.f32 v63, v21;
	v45 =	vor.u32 $0xB, v26  }
0x28a: {  	[tilespmem:v34+s20+$0x0] =	vst.idx.msk $0xffff, v54;
	v44 =	vor.u32 $0xB, v30;
	v58 =	vmul.f32 v49, v23;
	v57 =	vld.idx.msk [tilespmem:v40+s20+$0x0], $0xffff  }
0x28b: {  	[tilespmem:v43+s20+$0x0] =	vst.idx.msk $0xffff, v56;
	v60 =	vmul.f32 v50, v25;
	v59 =	vld.idx.msk [tilespmem:v42+s20+$0x0], $0xffff  }
0x28c: {  	v46 =	vor.u32 $0xC, v16;
	[tilespmem:v52+s20+$0x0] =	vst.idx.msk $0xffff, v58;
	v61 =	vld.idx.msk [tilespmem:v37+s20+$0x0], $0xffff;
	v41 =	vmul.f32 v53, v27  }
0x28d: {  	v35 =	vmul.f32 v35, v15;
	v47 =	vor.u32 $0xC, v17;
	v62 =	vld.idx.msk [tilespmem:v36+s20+$0x0], $0xffff;
	[tilespmem:v39+s20+$0x0] =	vst.idx.msk $0xffff, v60  }
0x28e: {  	v31 =	vmul.f32 v55, v12;
	v43 =	vor.u32 $0xC, v20;
	v63 =	vld.idx.msk [tilespmem:v45+s20+$0x0], $0xffff;
	[tilespmem:v48+s20+$0x0] =	vst.idx.msk $0xffff, v41  }
0x28f: {  	v33 =	vor.u32 $0xC, v22;
	[tilespmem:v28+s20+$0x0] =	vst.idx.msk $0xffff, v35;
	v52 =	vmul.f32 v57, v14;
	v53 =	vld.idx.msk [tilespmem:v44+s20+$0x0], $0xffff  }
0x290: {  	[tilespmem:v32+s20+$0x0] =	vst.idx.msk $0xffff, v31;
	v32 =	vor.u32 $0xC, v24;
	v54 =	vld.idx.msk [tilespmem:v29+s20+$0x0], $0xffff;
	v55 =	vmul.f32 v59, v18  }
0x291: {  	v34 =	vor.u32 $0xC, v26;
	v56 =	vld.idx.msk [tilespmem:v46+s20+$0x0], $0xffff;
	[tilespmem:v40+s20+$0x0] =	vst.idx.msk $0xffff, v52;
	v57 =	vmul.f32 v61, v21  }
0x292: {  	v39 =	vor.u32 $0xC, v30;
	v58 =	vmul.f32 v62, v23;
	v40 =	vld.idx.msk [tilespmem:v47+s20+$0x0], $0xffff;
	[tilespmem:v42+s20+$0x0] =	vst.idx.msk $0xffff, v55  }
0x293: {  	v19 =	vor.u32 $0xF, v19;
	[tilespmem:v37+s20+$0x0] =	vst.idx.msk $0xffff, v57;
	v59 =	vmul.f32 v63, v25;
	v42 =	vld.idx.msk [tilespmem:v43+s20+$0x0], $0xffff  }
0x294: {  	[tilespmem:v36+s20+$0x0] =	vst.idx.msk $0xffff, v58;
	v37 =	vor.u32 $0xD, v16;
	v60 =	vld.idx.msk [tilespmem:v33+s20+$0x0], $0xffff;
	v61 =	vmul.f32 v53, v27  }
0x295: {  	v62 =	vmul.f32 v54, v11;
	v36 =	vor.u32 $0xD, v17;
	v63 =	vld.idx.msk [tilespmem:v32+s20+$0x0], $0xffff;
	[tilespmem:v45+s20+$0x0] =	vst.idx.msk $0xffff, v59  }
0x296: {  	v38 =	vor.u32 $0xD, v20;
	v50 =	vmul.f32 v56, v12;
	v45 =	vld.idx.msk [tilespmem:v34+s20+$0x0], $0xffff;
	[tilespmem:v44+s20+$0x0] =	vst.idx.msk $0xffff, v61  }
0x297: {  	v31 =	vor.u32 $0xD, v22;
	[tilespmem:v29+s20+$0x0] =	vst.idx.msk $0xffff, v62;
	v51 =	vmul.f32 v40, v14;
	v52 =	vld.idx.msk [tilespmem:v39+s20+$0x0], $0xffff  }
0x298: {  	[tilespmem:v46+s20+$0x0] =	vst.idx.msk $0xffff, v50;
	v53 =	vld.idx.msk [tilespmem:v19+s20+$0x0], $0xffff;
	v54 =	vmul.f32 v42, v18;
	v42 =	vor.u32 $0xD, v24  }
0x299: {  	v41 =	vor.u32 $0xD, v26;
	v55 =	vld.idx.msk [tilespmem:v37+s20+$0x0], $0xffff;
	[tilespmem:v47+s20+$0x0] =	vst.idx.msk $0xffff, v51;
	v56 =	vmul.f32 v60, v21  }
0x29a: {  	v58 =	vmul.f32 v63, v23;
	v57 =	vld.idx.msk [tilespmem:v36+s20+$0x0], $0xffff;
	[tilespmem:v43+s20+$0x0] =	vst.idx.msk $0xffff, v54;
	v43 =	vor.u32 $0xD, v30  }
0x29b: {  	v47 =	vor.u32 $0xE, v13;
	[tilespmem:v33+s20+$0x0] =	vst.idx.msk $0xffff, v56;
	v60 =	vmul.f32 v45, v25;
	v59 =	vld.idx.msk [tilespmem:v38+s20+$0x0], $0xffff  }
0x29c: {  	[tilespmem:v32+s20+$0x0] =	vst.idx.msk $0xffff, v58;
	v33 =	vor.u32 $0xE, v16;
	v61 =	vld.idx.msk [tilespmem:v31+s20+$0x0], $0xffff;
	v62 =	vmul.f32 v52, v27  }
0x29d: {  	v63 =	vmul.f32 v53, v15;
	v32 =	vor.u32 $0xE, v17;
	[tilespmem:v34+s20+$0x0] =	vst.idx.msk $0xffff, v60;
	v49 =	vld.idx.msk [tilespmem:v42+s20+$0x0], $0xffff  }
0x29e: {  	v50 =	vmul.f32 v55, v12;
	v34 =	vor.u32 $0xE, v20;
	v51 =	vld.idx.msk [tilespmem:v41+s20+$0x0], $0xffff;
	[tilespmem:v39+s20+$0x0] =	vst.idx.msk $0xffff, v62  }
0x29f: {  	[tilespmem:v19+s20+$0x0] =	vst.idx.msk $0xffff, v63;
	v19 =	vor.u32 $0xE, v22;
	v52 =	vmul.f32 v57, v14;
	v28 =	vld.idx.msk [tilespmem:v43+s20+$0x0], $0xffff  }
0x2a0: {  	v53 =	vld.idx.msk [tilespmem:v47+s20+$0x0], $0xffff;
	[tilespmem:v37+s20+$0x0] =	vst.idx.msk $0xffff, v50;
	v37 =	vor.u32 $0xE, v24;
	v54 =	vmul.f32 v59, v18  }
0x2a1: {  	v55 =	vld.idx.msk [tilespmem:v33+s20+$0x0], $0xffff;
	[tilespmem:v36+s20+$0x0] =	vst.idx.msk $0xffff, v52;
	v56 =	vmul.f32 v61, v21;
	v36 =	vor.u32 $0xE, v26  }
0x2a2: {  	v35 =	vor.u32 $0xE, v30;
	v57 =	vld.idx.msk [tilespmem:v32+s20+$0x0], $0xffff;
	[tilespmem:v38+s20+$0x0] =	vst.idx.msk $0xffff, v54;
	v58 =	vmul.f32 v49, v23  }
0x2a3: {  	v13 =	vor.u32 $0xF, v13;
	[tilespmem:v31+s20+$0x0] =	vst.idx.msk $0xffff, v56;
	v59 =	vmul.f32 v51, v25;
	v38 =	vld.idx.msk [tilespmem:v34+s20+$0x0], $0xffff  }
0x2a4: {  	v16 =	vor.u32 $0xF, v16;
	v31 =	vld.idx.msk [tilespmem:v19+s20+$0x0], $0xffff;
	[tilespmem:v42+s20+$0x0] =	vst.idx.msk $0xffff, v58;
	v28 =	vmul.f32 v28, v27  }
0x2a5: {  	v17 =	vor.u32 $0xF, v17;
	v60 =	vmul.f32 v53, v11;
	[tilespmem:v41+s20+$0x0] =	vst.idx.msk $0xffff, v59;
	v61 =	vld.idx.msk [tilespmem:v37+s20+$0x0], $0xffff  }
0x2a6: {  	v63 =	vor.u32 $0xF, v20;
	v62 =	vmul.f32 v55, v12;
	v44 =	vld.idx.msk [tilespmem:v36+s20+$0x0], $0xffff;
	[tilespmem:v43+s20+$0x0] =	vst.idx.msk $0xffff, v28  }
0x2a7: {  	v46 =	vor.u32 $0xF, v22;
	[tilespmem:v47+s20+$0x0] =	vst.idx.msk $0xffff, v60;
	v45 =	vmul.f32 v57, v14;
	v47 =	vld.idx.msk [tilespmem:v35+s20+$0x0], $0xffff  }
0x2a8: {  	v50 =	vor.u32 $0xF, v24;
	v48 =	vld.idx.msk [tilespmem:v13+s20+$0x0], $0xffff;
	[tilespmem:v33+s20+$0x0] =	vst.idx.msk $0xffff, v62;
	v49 =	vmul.f32 v38, v18  }
0x2a9: {  	v52 =	vor.u32 $0xF, v26;
	v33 =	vld.idx.msk [tilespmem:v16+s20+$0x0], $0xffff;
	[tilespmem:v32+s20+$0x0] =	vst.idx.msk $0xffff, v45;
	v51 =	vmul.f32 v31, v21  }
0x2aa: {  	v30 =	vor.u32 $0xF, v30;
	v53 =	vld.idx.msk [tilespmem:v17+s20+$0x0], $0xffff;
	[tilespmem:v34+s20+$0x0] =	vst.idx.msk $0xffff, v49;
	v54 =	vmul.f32 v61, v23  }
0x2ab: {  	[tilespmem:v19+s20+$0x0] =	vst.idx.msk $0xffff, v51;
	v56 =	vmul.f32 v44, v25;
	v55 =	vld.idx.msk [tilespmem:v63+s20+$0x0], $0xffff  }
0x2ac: {  	v28 =	vld.idx.msk [tilespmem:v46+s20+$0x0], $0xffff;
	[tilespmem:v37+s20+$0x0] =	vst.idx.msk $0xffff, v54;
	v57 =	vmul.f32 v47, v27  }
0x2ad: {  	v11 =	vmul.f32 v48, v11;
	[tilespmem:v36+s20+$0x0] =	vst.idx.msk $0xffff, v56;
	v58 =	vld.idx.msk [tilespmem:v50+s20+$0x0], $0xffff  }
0x2ae: {  	v59 =	vmul.f32 v33, v12;
	v19 =	vld.idx.msk [tilespmem:v52+s20+$0x0], $0xffff;
	[tilespmem:v35+s20+$0x0] =	vst.idx.msk $0xffff, v57  }
0x2af: {  	[tilespmem:v13+s20+$0x0] =	vst.idx.msk $0xffff, v11;
	v11 =	vmul.f32 v53, v14;
	v60 =	vld.idx.msk [tilespmem:v30+s20+$0x0], $0xffff  }
0x2b0: {  	[tilespmem:v16+s20+$0x0] =	vst.idx.msk $0xffff, v59;
	v61 =	vmul.f32 v55, v18  }
0x2b1: {  	[tilespmem:v17+s20+$0x0] =	vst.idx.msk $0xffff, v11;
	v11 =	vmul.f32 v28, v21  }
0x2b2: {  	[tilespmem:v63+s20+$0x0] =	vst.idx.msk $0xffff, v61;
	v62 =	vmul.f32 v58, v23  }
0x2b3: {  	[tilespmem:v46+s20+$0x0] =	vst.idx.msk $0xffff, v11;
	v11 =	vmul.f32 v19, v25  }
0x2b4: {  	s24 =	sshll.u32 s24, $0x9;
	s23 =	sadd.s32 $0x1, s23;
	[tilespmem:v50+s20+$0x0] =	vst.idx.msk $0xffff, v62;
	v63 =	vmul.f32 v60, v27  }
0x2b5: {  	s24 =	sand.u32 $0x1FFFF000, s24;
	p0 =	sne.s32 s23, $0x8;
	[tilespmem:v52+s20+$0x0] =	vst.idx.msk $0xffff, v11  }
.Ltmp4:
0x2b6: {  	s24 =	sadd.s32 s5, s24;
	[tilespmem:v30+s20+$0x0] =	vst.idx.msk $0xffff, v63;
	(pc) =	sbr.rel @p0 .LBB2_2-.Ltmp4, $4  }
0x2b7: {  	[hbm4b:s24+s1] =	stream.linear.scatter [tilespmem:s20], [sflag:$0x5], $0x8000, $0x38;
	[tilespmem:$0x1A000] =	vst v63  }
0x2b8: {  	_ =	swait.ge [sflag:s17], $0x8000  }
0x2b9: {  	[sflag:s17] =	ssyncset.done $0x0  }
0x2ba: {  	[sflag:s17] =	ssyncadd.s32 $0xFFFF8000  }
0x2bb: {  	s22 =	sadd.s32 $0x1, s22  }
0x2bc: {  	p0 =	sne.s32 s22, s10  }
.Ltmp5:
0x2bd: {  	_ = 	snop;
	(pc) =	sbr.rel @p0 .LBB2_1-.Ltmp5, $1  }
0x2be: {  	_ =	sdelay $0x3  }
0x2bf: {  	_ =	sfence.sel $0x180000  }
0x2c0: {  	[bflag:$0x0] =	sbarrier.arrive $0xFFFF  }
0x2c1: {  	p0 =	sne.s32 s2, $0x0;
	_ =	strace $0x9000004A  }
0x2c2: {  	s0 =	sadd.s32 @!p0 $0x100000, s0;
	[bflag:$0x2] =	sbarrier.arrive $0xFFFF  }
0x2c3: {  	[sflag:s0] =	ssyncadd.tile.s32 @!p0 $0x1;
	_ =	shalt  }
.Lfunc_end2:
_tile_overlayer_lowered:
.L_overlay_start_2:
0x2c4: {  	(tag) =	ssettag $0x2  }
0x2c5: {  	s0 =	rddreg [dreg:$0x0];
	s2 =	stileid.u32  }
0x2c6: {  	s1 =	rddreg [dreg:$0x1];
	p0 =	sne.s32 s2, $0x0  }
0x2c7: {  	s3 =	rddreg [dreg:$0x2];
	[bflag:$0x3] =	sbarrier.arrive $0xFFFF;
	s2 =	simm.s32 @!p0 $0x1C05  }
0x2c8: {  	[timem:s3], [sflag:s2] =	dma.local @!p0 [hbm:s0], s1  }
0x2c9: {  	s0 =	simm.s32 @!p0 $0x5  }
0x2ca: {  	_ =	swait.ge @!p0 [sflag:s0], s1  }
0x2cb: {  	s1 =	ssub.s32 @!p0 $0x0, s1;
	[sflag:s0] =	ssyncset.done @!p0 $0x0  }
0x2cc: {  	[sflag:s0] =	ssyncadd.s32 @!p0 s1  }
0x2cd: {  	[bflag:$0x3] =	sbarrier.arrive $0xFFFF  }
0x2ce: {  	_ =	shalt  }

// kernel: sparse-core-data-format-call.cloned.1.call-start
scs
called_computation_lowered:
.L_overlay_start_0:
0x0: {  	s2 =	sld [smem:$0x3FD9]  }
0x1: {  	s3 =	sld [smem:$0x3FFE];
	_ =	sdelay $0x1  }
0x2: {  	s1 =	srdreg.scid  }
0x3: {  	s0 =	sand.u32 $0x1, s1  }
0x4: {  	s18 =	sshll.u32 s0, $0xA;
	s2 =	sadd.s32 s3, s2  }
0x5: {  	s2 =	sadd.s32 s2, s18  }
0x6: {  	[smem:$0x3FC6] =	sst s2  }
0x7: {  	_ = 	snop  }
0x8: {  	s2 =	sld [smem:$0x3FC9];
	(tm) =	ssettm $0x1  }
0x9: {  	s19 =	sld [smem:$0x3FFB];
	_ =	sdelay $0x3  }
0xa: {  	_ =	strace s19  }
0xb: {  	s3 =	sld [smem:$0x3FFC];
	_ =	sdelay $0x3  }
0xc: {  	_ =	strace s3  }
0xd: {  	s3 =	sld [smem:$0x3FFD];
	_ =	sdelay $0x3  }
0xe: {  	_ =	strace s3  }
0xf: {  	_ =	strace $0x8FFFFFFF  }
0x10: {  	s20 =	sld [smem:$0x3FDB];
	_ =	sdelay $0x1  }
0x11: {  	s4 =	simm.s32 $_scs_section_size  }
0x12: {  	s5 =	simm.s32 $_size__tile_overlayer_lowered;
	s6 =	simm.s32 $_tile_overlayer_lowered  }
0x13: {  	s23 =	simm.s32 $0x1BFF;
	s22 =	sshll.u32 s6, $0x1;
	s3 =	sadd.s32 s4, s20  }
0x14: {  	s7 =	simm.s32 $0x0;
	s21 =	sshll.u32 s5, $0x1;
	s5 =	sadd.s32 s22, s3  }
0x15: {  	[timem:s7], [sflag:s23] =	dma.local [hbm:s5], s21  }
0x16: {  	_ =	swait.ge [sflag:s23], s21  }
0x17: {  	s4 =	ssub.s32 $0x0, s21;
	[sflag:s23] =	ssyncset.done $0x0  }
0x18: {  	[sflag:s23] =	ssyncadd.s32 s4;
	_ =	sdelay $0x1  }
0x19: {  	s24 =	simm.s32 $0x1B8B  }
0x1a: {  	_ =	swait.ge [sflag:s24], $0x1  }
0x1b: {  	[sflag:s24] =	ssyncset.done $0x0  }
0x1c: {  	s26 =	simm.s32 $0x1B8E;
	s25 =	sld [smem:$0x3FFE];
	[sflag:s24] =	ssyncadd.s32 $0xFFFFFFFF  }
0x1d: {  	s27 =	simm.s32 $execute0_lowered;
	[smem:$0x3FD2] =	sst s26  }
0x1e: {  	s5 =	sshll.u32 s27, $0x1;
	_ =	strace $0x80000046;
	[dreg:$0x1] =	wrdreg $0xFFFFFFFF  }
0x1f: {  	s28 =	simm.s32 $_size_execute0_lowered;
	s3 =	sadd.s32 s3, s5;
	[dreg:$0x0] =	wrdreg $0x0  }
0x20: {  	s5 =	sshll.u32 s28, $0x1;
	[dreg:$0x2] =	wrdreg s3  }
0x21: {  	[dreg:$0x3] =	wrdreg s5  }
0x22: {  	[dreg:$0x4] =	wrdreg $0xC0  }
0x23: {  	_ =	task [dreg:s7], $0x5FFFF  }
0x24: {  	[dreg:$0x1] =	wrdreg $0xFFFFFFFF  }
0x25: {  	[dreg:$0x0] =	wrdreg $0x60  }
0x26: {  	[dreg:$0x2] =	wrdreg s2  }
0x27: {  	[dreg:$0x3] =	wrdreg s25  }
0x28: {  	[dreg:$0x4] =	wrdreg $0x9  }
0x29: {  	_ =	task.clear_ibuf [dreg:s7], $0x5FFFF;
	_ =	strace $0x90000046  }
0x2a: {  	s29 =	simm.s32 $0x9;
	_ =	strace $0x80000048  }
0x2b: {  	_ =	swait.ge [sflag:s29], $0x1  }
0x2c: {  	[sflag:s29] =	ssyncadd.s32 $0xFFFFFFFF  }
0x2d: {  	_ =	strace $0x90000048  }
0x2e: {  	_ =	sfence  }
0x2f: {  	s30 =	sld [smem:$0x0];
	_ =	sdelay $0x2  }
0x30: {  	s31 =	sshll.u32 s1, $0xD;
	s1 =	sshrl.u32 s1, $0x2  }
0x31: {  	s3 =	sand.u32 $0x4000, s31;
	s1 =	sadd.s32 s1, s30  }
0x32: {  	s0 =	sor.u32 s3, s0;
	s1 =	sshll.u32 s1, $0x11  }
0x33: {  	s0 =	sor.u32 s1, s0  }
0x34: {  	s0 =	sadd.s32 $0x8F2B, s0  }
0x35: {  	[sflag:s0] =	ssyncadd.remote.s32 $0x1  }
0x36: {  	_ =	sfence.sel $0xFFFF  }
0x37: {  	[dreg:$0x0] =	wrdreg $0xFFFFFFFF;
	(pc) =	sbr.abs _section_cstart, $3  }
0x38: {  	[dreg:$0x1] =	wrdreg $0xFFFFFFFF  }
0x39: {  	_ =	task.clear_ibuf [dreg:s7], $0x2FFFF;
	_ =	strace $0x9FFFFFFF  }
0x3a: {  	(tm) =	ssettm $0x7FFFFFFF  }
0x3b: {  	_ =	shalt  }
tec
execute0_lowered:
.L_overlay_start_1:
0x0: {  	(tag) =	ssettag $0x1  }
0x1: {  	s2 =	rddreg [dreg:$0x0]  }
0x2: {  	s1 =	rddreg [dreg:$0x1]  }
0x3: {  	s0 =	rddreg [dreg:$0x2];
	_ =	strace $0x80000047;
	s4 =	srdreg.scid  }
.Ltmp0:
0x4: {  	s6 =	simm.s32 $0x2;
	p0 =	por $0x0, $0x0;
	(pc) =	sbr.rel .LBB1_1-.Ltmp0, $4  }
0x5: {  	s9 =	simm.s32 $0x0;
	s3 =	sadd.s32 $0xA00, s1;
	s5 =	sshll.u32 s4, $0x4  }
0x6: {  	s1 =	stileid.u32;
	s4 =	simm.s32 $0x1;
	s5 =	sand.u32 $0x10, s5  }
0x7: {  	s7 =	simm.s32 $0x0;
	[sflag:s4] =	ssyncpa.u1 $0x0;
	s5 =	sor.u32 s1, s5  }
0x8: {  	[sflag:s6] =	ssyncpa.u1 $0x0;
	s6 =	simm.s32 $0x0;
	s8 =	smov.u32 s5  }
.LBB1_7:
0x9: {  	s11 =	sadd.s32 $0x20, s8  }
0xa: {  	p1 =	slt.u32 s7, $0x2;
	s7 =	sadd.s32 $0x1, s7;
	p2 =	sgt.s32 s11, $0x1FF  }
0xb: {  	s11 =	smov.u32 @p2 s5;
	p2 =	sne.s32 s7, $0x12  }
.Ltmp1:
0xc: {  	_ = 	snop;
	(pc) =	sbr.rel @!p2 .LBB1_8-.Ltmp1, $4  }
0xd: {  	s10 =	simm.s32 @!p1 $0x2  }
0xe: {  	_ =	swait.ge @!p1 [sflag:s10], $0x4000  }
0xf: {  	s9 =	smov.u32 s8;
	[sflag:s10] =	ssyncset.done @!p1 $0x0  }
0x10: {  	p0 =	por !p0, !p0;
	s8 =	smov.u32 s11;
	[sflag:s10] =	ssyncadd.s32 @!p1 $0xFFFFC000  }
.LBB1_1:
0x11: {  	p1 =	sgt.u32 s7, $0xF  }
0x12: {  	s10 =	sxor.u32 @!p1 $0xFFFFFFFF, s7  }
0x13: {  	s11 =	sshll.u32 @!p1 s8, $0xB;
	s10 =	sshll.u32 @!p1 s10, $0xE  }
0x14: {  	s12 =	simm.s32 @!p1 $0x0;
	s11 =	sadd.s32 @!p1 s2, s11;
	s10 =	sand.u32 @!p1 $0x4000, s10  }
0x15: {  	[tilespmem:s10], [sflag:$0x1] =	stream.linear.gather @!p1 [hbm4b:s11+s12], $0x4000, $0x38;
	[tilespmem:$0x10000] =	vst v63  }
0x16: {  	p1 =	seq.s32 s7, $0x0  }
0x17: {  	p2 =	seq.s32 @!p1 s7, $0x11  }
0x18: {  	p1 =	por p1, p2  }
.Ltmp2:
0x19: {  	_ = 	snop;
	(pc) =	sbr.rel @p1 .LBB1_7-.Ltmp2, $1  }
0x1a: {  	_ =	sdelay $0x3  }
0x1b: {  	s10 =	simm.s32 $0x1;
	_ =	swait.ge [sflag:s4], $0x4000;
	s12 =	sshll.u32 s7, $0xE  }
0x1c: {  	s13 =	simm.s32 $0x0;
	s10 =	simm.s32 @!p0 $0x0;
	[sflag:s4] =	ssyncset.done $0x0  }
0x1d: {  	s12 =	sand.u32 $0x4000, s12;
	s11 =	sshll.u32 s10, $0xE;
	[sflag:s4] =	ssyncadd.s32 $0xFFFFC000  }
0x1e: {  	s12 =	sor.u32 $0x8000, s12;
	s10 =	sor.u32 $0x8040, s11;
	s11 =	sor.u32 $0x40, s11  }
.LBB1_3:
0x1f: {  	v0 =	vmov s11;
	_ =	sdelay $0x3  }
0x20: {  	s15 =	simm.s32 $0x0  }
0x21: {  	v6 =	vld.idx.msk [tilespmem:v0+s15+$0x30 ss:$0x1], $0xffff  }
0x22: {  	v7 =	vld.idx.msk [tilespmem:v0+s15+$0xFFFFFFC0 ss:$0x1], $0xffff  }
0x23: {  	v5 =	vld.idx.msk [tilespmem:v0+s15+$0xFFFFFFD0 ss:$0x1], $0xffff  }
0x24: {  	v4 =	vld.idx.msk [tilespmem:v0+s15+$0xFFFFFFE0 ss:$0x1], $0xffff  }
0x25: {  	v3 =	vld.idx.msk [tilespmem:v0+s15+$0xFFFFFFF0 ss:$0x1], $0xffff  }
0x26: {  	v1 =	vld.idx.msk [tilespmem:v0+s15+$0x0 ss:$0x1], $0xffff  }
0x27: {  	v2 =	vld.idx.msk [tilespmem:v0+s15+$0x10 ss:$0x1], $0xffff;
	[tilespmem:s10+$0x30] =	vst v6  }
0x28: {  	s14 =	simm.s32 $0x80;
	s16 =	simm.s32 $0x400;
	[tilespmem:s10+$0xFFFFFFC0] =	vst v7;
	v6 =	vld.idx.msk [tilespmem:v0+s15+$0x20 ss:$0x1], $0xffff;
	s15 =	smov.u32 s10  }
.LBB1_4:
0x29: {  	p1 =	sne.s32 s16, $0xE00;
	v7 =	vld.idx.msk [tilespmem:v0+s14+$0x30 ss:$0x1], $0xffff;
	[tilespmem:s15+$0xFFFFFFD0] =	vst v5  }
0x2a: {  	v8 =	vld.idx.msk [tilespmem:v0+s14+$0xFFFFFFC0 ss:$0x1], $0xffff;
	[tilespmem:s15+$0xFFFFFFE0] =	vst v4  }
0x2b: {  	v5 =	vld.idx.msk [tilespmem:v0+s14+$0xFFFFFFD0 ss:$0x1], $0xffff;
	[tilespmem:s15+$0xFFFFFFF0] =	vst v3  }
.Ltmp3:
0x2c: {  	v4 =	vld.idx.msk [tilespmem:v0+s14+$0xFFFFFFE0 ss:$0x1], $0xffff;
	[tilespmem:s15+$0x0] =	vst v1;
	(pc) =	sbr.rel @p1 .LBB1_4-.Ltmp3, $4  }
0x2d: {  	v3 =	vld.idx.msk [tilespmem:v0+s14+$0xFFFFFFF0 ss:$0x1], $0xffff;
	[tilespmem:s15+$0x10] =	vst v2  }
0x2e: {  	v1 =	vld.idx.msk [tilespmem:v0+s14+$0x0 ss:$0x1], $0xffff;
	[tilespmem:s15+$0x20] =	vst v6;
	s15 =	sadd.s32 $0x800, s15  }
0x2f: {  	v2 =	vld.idx.msk [tilespmem:v0+s14+$0x10 ss:$0x1], $0xffff;
	[tilespmem:s15+$0x30] =	vst v7  }
0x30: {  	[tilespmem:s15+$0xFFFFFFC0] =	vst v8;
	v6 =	vld.idx.msk [tilespmem:v0+s14+$0x20 ss:$0x1], $0xffff;
	s14 =	sshra.s32 s16, $0x2;
	s16 =	sadd.s32 $0x200, s16  }
0x31: {  	_ =	sdelay $0x2  }
0x32: {  	[tilespmem:s15+$0xFFFFFFD0] =	vst v5  }
0x33: {  	v56 =	vld.idx.msk [tilespmem:v0+s14+$0x30 ss:$0x1], $0xffff;
	[tilespmem:s15+$0xFFFFFFE0] =	vst v4  }
0x34: {  	v57 =	vld.idx.msk [tilespmem:v0+s14+$0xFFFFFFC0 ss:$0x1], $0xffff;
	[tilespmem:s15+$0xFFFFFFF0] =	vst v3  }
0x35: {  	v58 =	vld.idx.msk [tilespmem:v0+s14+$0xFFFFFFD0 ss:$0x1], $0xffff;
	[tilespmem:s15+$0x0] =	vst v1  }
0x36: {  	v59 =	vld.idx.msk [tilespmem:v0+s14+$0xFFFFFFE0 ss:$0x1], $0xffff;
	[tilespmem:s15+$0x10] =	vst v2  }
0x37: {  	v60 =	vld.idx.msk [tilespmem:v0+s14+$0xFFFFFFF0 ss:$0x1], $0xffff;
	s31 =	sadd.s32 $0x800, s15;
	[tilespmem:s15+$0x20] =	vst v6  }
0x38: {  	v61 =	vld.idx.msk [tilespmem:v0+s14+$0x0 ss:$0x1], $0xffff;
	[tilespmem:s31+$0x30] =	vst v56  }
0x39: {  	v62 =	vld.idx.msk [tilespmem:v0+s14+$0x10 ss:$0x1], $0xffff;
	s13 =	sadd.s32 $0x1, s13;
	[tilespmem:s31+$0xFFFFFFC0] =	vst v57  }
0x3a: {  	v63 =	vld.idx.msk [tilespmem:v0+s14+$0x20 ss:$0x1], $0xffff;
	p1 =	sne.s32 s13, $0x10;
	[tilespmem:s31+$0xFFFFFFD0] =	vst v58  }
.Ltmp4:
0x3b: {  	[tilespmem:s31+$0xFFFFFFE0] =	vst v59;
	(pc) =	sbr.rel @p1 .LBB1_3-.Ltmp4, $4  }
0x3c: {  	[tilespmem:s31+$0xFFFFFFF0] =	vst v60  }
0x3d: {  	[tilespmem:s31+$0x0] =	vst v61  }
0x3e: {  	[tilespmem:s31+$0x10] =	vst v62  }
0x3f: {  	s10 =	sadd.s32 $0x80, s10;
	s11 =	sadd.s32 $0x400, s11;
	[tilespmem:s31+$0x20] =	vst v63  }
.Ltmp5:
0x40: {  	(pc) =	sbr.rel .LBB1_7-.Ltmp5, $4  }
0x41: {  	_ = 	snop  }
0x42: {  	s9 =	sshll.u32 s9, $0xB  }
0x43: {  	s9 =	sadd.s32 s3, s9  }
0x44: {  	[hbm4b:s9+s6] =	stream.linear.scatter [tilespmem:s12], [sflag:$0x2], $0x4000, $0x38;
	[tilespmem:$0x10000] =	vst v63  }
.LBB1_8:
0x45: {  	_ =	sfence.sel $0x180000  }
0x46: {  	s2 =	simm.s32 $0x1;
	[bflag:$0x0] =	sbarrier.arrive $0xFFFF  }
0x47: {  	s31 =	simm.s32 $0x2;
	[sflag:s2] =	ssyncpa.u1 $0x1  }
0x48: {  	[sflag:s31] =	ssyncpa.u1 $0x1  }
0x49: {  	p0 =	sne.s32 s1, $0x0;
	_ =	strace $0x90000047  }
0x4a: {  	s0 =	sadd.s32 @!p0 $0x100000, s0;
	[bflag:$0x2] =	sbarrier.arrive $0xFFFF  }
0x4b: {  	[sflag:s0] =	ssyncadd.tile.s32 @!p0 $0x1;
	_ =	shalt  }
.Lfunc_end1:
_tile_overlayer_lowered:
.L_overlay_start_2:
0x4c: {  	(tag) =	ssettag $0x2  }
0x4d: {  	s0 =	rddreg [dreg:$0x0];
	s2 =	stileid.u32  }
0x4e: {  	s1 =	rddreg [dreg:$0x1];
	p0 =	sne.s32 s2, $0x0  }
0x4f: {  	s3 =	rddreg [dreg:$0x2];
	[bflag:$0x3] =	sbarrier.arrive $0xFFFF;
	s2 =	simm.s32 @!p0 $0x1C01  }
0x50: {  	[timem:s3], [sflag:s2] =	dma.local @!p0 [hbm:s0], s1  }
0x51: {  	s0 =	simm.s32 @!p0 $0x1  }
0x52: {  	_ =	swait.ge @!p0 [sflag:s0], s1  }
0x53: {  	s1 =	ssub.s32 @!p0 $0x0, s1;
	[sflag:s0] =	ssyncset.done @!p0 $0x0  }
0x54: {  	[sflag:s0] =	ssyncadd.s32 @!p0 s1  }
0x55: {  	[bflag:$0x3] =	sbarrier.arrive $0xFFFF  }
0x56: {  	_ =	shalt  }

</sc_bundles>
